<compile_context>
chip_gen: v7x
topology: tpu7x:2x2x1
jax: 0.10.2.dev20260603
libtpu: 0.0.44.dev20260713+nightly
codegen_flags: <defaults>
</compile_context>

<pallas_src>
import functools

import jax
import jax.numpy as jnp
from jax import lax
from jax.experimental import pallas as pl
from jax.experimental.pallas import tpu as pltpu
from jax.experimental.pallas import tpu_sc as plsc

N = 10000
E = 320000
D = 128

NC = 2
NS = 16
L = 16
NW = NC * NS

CK = 128
TCH = 2560
CH = 80
GC = 40
EPAD = TCH * CK
ROWS_T = 624
TAIL_BASE = NS * ROWS_T
TAIL_ROWS = N - TAIL_BASE


def _sc_agg_body(feat_hbm, src_hbm, dst_hbm, w_hbm, out_hbm,
                 src_v, dst_v, w_v, rowbuf, rowbuf1, agg_sh, sem, sem1):
    c = lax.axis_index("c")
    s = lax.axis_index("s")
    start = (c * NS + s) * CH
    base = s * ROWS_T

    def zrow(i, carry):
        for jj in range(D // L):
            rowbuf[i, pl.ds(jj * L, L)] = jnp.zeros((L,), jnp.float32)
        return carry
    lax.fori_loop(0, CK, zrow, 0)
    off = 0
    for nrows in (128, 128, 128, 128, 112):
        pltpu.sync_copy(rowbuf.at[pl.ds(0, nrows)],
                        agg_sh.at[pl.ds(base + off, nrows)])
        off += nrows

    @pl.when(s == NS - 1)
    def _():
        pltpu.sync_copy(rowbuf.at[pl.ds(0, TAIL_ROWS)],
                        agg_sh.at[pl.ds(TAIL_BASE, TAIL_ROWS)])
    plsc.subcore_barrier()

    def scale_and_scatter(gi, buf):
        @plsc.parallel_loop(0, CK, unroll=8)
        def _(i):
            wv = plsc.load_gather(
                w_v, (jnp.full((L,), gi * CK + i, jnp.int32),))
            for jj in range(D // L):
                sl = pl.ds(jj * L, L)
                buf[i, sl] = buf[i, sl] * wv
        pltpu.sync_copy(buf, agg_sh.at[dst_v.at[gi]], add=True)

    def group_body(grp, carry):
        cb = start + grp * GC
        pltpu.sync_copy(src_hbm.at[pl.ds(cb, GC)], src_v)
        pltpu.sync_copy(dst_hbm.at[pl.ds(cb, GC)], dst_v)
        pltpu.sync_copy(w_hbm.at[pl.ds(cb * CK, GC * CK)], w_v)
        pltpu.async_copy(feat_hbm.at[src_v.at[0]], rowbuf, sem)

        def chunk_pair(t, ccarry):
            g0 = 2 * t
            pltpu.async_copy(feat_hbm.at[src_v.at[g0 + 1]], rowbuf1, sem1)
            pltpu.make_async_copy(
                feat_hbm.at[src_v.at[g0]], rowbuf, sem).wait()
            scale_and_scatter(g0, rowbuf)

            @pl.when(g0 + 2 < GC)
            def _():
                pltpu.async_copy(feat_hbm.at[src_v.at[g0 + 2]], rowbuf, sem)
            pltpu.make_async_copy(
                feat_hbm.at[src_v.at[g0 + 1]], rowbuf1, sem1).wait()
            scale_and_scatter(g0 + 1, rowbuf1)
            return ccarry
        lax.fori_loop(0, GC // 2, chunk_pair, 0)
        return carry
    lax.fori_loop(0, CH // GC, group_body, 0)
    plsc.subcore_barrier()

    pltpu.sync_copy(agg_sh.at[pl.ds(base, ROWS_T)],
                    out_hbm.at[pl.ds(c * N + base, ROWS_T)])

    @pl.when(s == NS - 1)
    def _():
        pltpu.sync_copy(agg_sh.at[pl.ds(TAIL_BASE, TAIL_ROWS)],
                        out_hbm.at[pl.ds(c * N + TAIL_BASE, TAIL_ROWS)])


_sc_aggregate = functools.partial(
    pl.kernel,
    out_type=jax.ShapeDtypeStruct((2 * N, D), jnp.float32),
    mesh=plsc.VectorSubcoreMesh(
        core_axis_name="c", subcore_axis_name="s",
        num_cores=NC, num_subcores=NS),
    scratch_types=[
        pltpu.VMEM((GC, CK), jnp.int32),
        pltpu.VMEM((GC, CK), jnp.int32),
        pltpu.VMEM((GC * CK,), jnp.float32),
        pltpu.VMEM((CK, D), jnp.float32),
        pltpu.VMEM((CK, D), jnp.float32),
        pltpu.VMEM_SHARED((N, D), jnp.float32),
        pltpu.SemaphoreType.DMA,
        pltpu.SemaphoreType.DMA,
    ],
    compiler_params=pltpu.CompilerParams(needs_layout_passes=False),
)(_sc_agg_body)


BR = 1000
G = N // BR


def _tc_head_body(p_ref, w_ref, b_ref, a1_ref, h_ref, stats_ref):
    i = pl.program_id(0)
    x = p_ref[0] + p_ref[1]
    h = jnp.dot(x, w_ref[...], preferred_element_type=jnp.float32) + b_ref[...]
    h = jnp.where(h >= 0, h, h * a1_ref[...])
    h_ref[...] = h

    @pl.when(i == 0)
    def _():
        stats_ref[...] = jnp.zeros_like(stats_ref)

    stats_ref[0:1, :] += jnp.sum(h, axis=0, keepdims=True)
    stats_ref[1:2, :] += jnp.sum(h * h, axis=0, keepdims=True)


def _tc_tail_body(h_ref, stats_ref, g_ref, be_ref, a2_ref, o_ref):
    mean = stats_ref[0:1, :] * (1.0 / N)
    ex2 = stats_ref[1:2, :] * (1.0 / N)
    var = ex2 - mean * mean
    inv = lax.rsqrt(var + 1e-5)
    t = (h_ref[...] - mean) * (inv * g_ref[...]) + be_ref[...]
    o_ref[...] = jnp.where(t >= 0, t, t * a2_ref[...])


def kernel(feat, edge_index, edge_weight, W, b, prelu1_a, bn_gamma, bn_beta,
           prelu2_a):
    pad = EPAD - E
    spread = (jnp.arange(pad, dtype=jnp.int32) * 8) % N
    src = jnp.concatenate([edge_index[0], spread])
    dst = jnp.concatenate([edge_index[1], spread])
    ew = jnp.concatenate([edge_weight, jnp.zeros((pad,), jnp.float32)])
    src = src.reshape(TCH, CK)
    dst = dst.reshape(TCH, CK)

    partials = _sc_aggregate(feat, src, dst, ew).reshape(2, N, D)

    row = lambda v: jnp.broadcast_to(v.reshape(1, -1), (1, D))
    h, stats = pl.pallas_call(
        _tc_head_body,
        grid=(G,),
        in_specs=[
            pl.BlockSpec((2, BR, D), lambda i: (0, i, 0)),
            pl.BlockSpec((D, D), lambda i: (0, 0)),
            pl.BlockSpec((1, D), lambda i: (0, 0)),
            pl.BlockSpec((1, D), lambda i: (0, 0)),
        ],
        out_specs=[
            pl.BlockSpec((BR, D), lambda i: (i, 0)),
            pl.BlockSpec((8, D), lambda i: (0, 0)),
        ],
        out_shape=[
            jax.ShapeDtypeStruct((N, D), jnp.float32),
            jax.ShapeDtypeStruct((8, D), jnp.float32),
        ],
    )(partials, W, b.reshape(1, D), row(prelu1_a))

    out = pl.pallas_call(
        _tc_tail_body,
        grid=(G,),
        in_specs=[
            pl.BlockSpec((BR, D), lambda i: (i, 0)),
            pl.BlockSpec((8, D), lambda i: (0, 0)),
            pl.BlockSpec((1, D), lambda i: (0, 0)),
            pl.BlockSpec((1, D), lambda i: (0, 0)),
            pl.BlockSpec((1, D), lambda i: (0, 0)),
        ],
        out_specs=pl.BlockSpec((BR, D), lambda i: (i, 0)),
        out_shape=jax.ShapeDtypeStruct((N, D), jnp.float32),
    )(h, stats, row(bn_gamma), row(bn_beta), row(prelu2_a))
    return out

# --- scband reference (transcript-rebuilt; emitter-appended) ---
"""Pipeline reference for scband-encoder2-25031069401691 (READ-ONLY COPY).

The authoritative reference and input builder live on the scoring server;
editing this copy changes nothing except your own understanding.
"""

import jax, jax.numpy as jnp
import numpy as np

N = 10000
E = 320000
D_IN = 128
D_OUT = 128


def _prelu(x, a):
    return jnp.where(x >= 0, x, a * x)


def setup_inputs(seed: int = 0) -> dict:
    key = jax.random.key(seed)
    ks = jax.random.split(key, 6)
    feat = jax.random.normal(ks[0], (N, D_IN), dtype=jnp.float32)
    edge_index = jax.random.randint(ks[1], (2, E), 0, N, dtype=jnp.int32)
    edge_weight = jax.random.uniform(ks[2], (E,), dtype=jnp.float32)
    # GraphConv weight/bias (DGL GraphConv: rst = (A_w x) W + b, norm='none')
    W = jax.random.normal(ks[3], (D_IN, D_OUT), dtype=jnp.float32) * (1.0 / np.sqrt(D_IN))
    b = jnp.zeros((D_OUT,), dtype=jnp.float32)
    # PReLU inside GraphConv (activation) and outer act
    prelu1_a = jnp.full((1,), 0.25, dtype=jnp.float32)
    prelu2_a = jnp.full((1,), 0.25, dtype=jnp.float32)
    # BatchNorm affine params
    bn_gamma = jnp.ones((D_OUT,), dtype=jnp.float32)
    bn_beta = jnp.zeros((D_OUT,), dtype=jnp.float32)
    return {
        "feat": feat,
        "edge_index": edge_index,
        "edge_weight": edge_weight,
        "W": W,
        "b": b,
        "prelu1_a": prelu1_a,
        "bn_gamma": bn_gamma,
        "bn_beta": bn_beta,
        "prelu2_a": prelu2_a,
    }


def reference(feat, edge_index, edge_weight, W, b, prelu1_a, bn_gamma, bn_beta, prelu2_a):
    # dropout is identity at eval time
    x = feat
    src = edge_index[0]
    dst = edge_index[1]
    # GraphConv(norm='none'): project then weighted scatter-add aggregation
    xw = x @ W
    msg = jnp.take(xw, src, axis=0) * edge_weight[:, None]
    agg = jax.ops.segment_sum(msg, dst, num_segments=N)
    h = agg + b
    h = _prelu(h, prelu1_a)  # GraphConv activation (PReLU)
    # BatchNorm1d (training-mode batch statistics, eps=1e-5)
    mean = jnp.mean(h, axis=0)
    var = jnp.var(h, axis=0)
    h = (h - mean) * jax.lax.rsqrt(var + 1e-5) * bn_gamma + bn_beta
    # outer PReLU
    h = _prelu(h, prelu2_a)
    return h

if __name__ == "__main__":
    import jax
    _d = setup_inputs()
    print(jax.jit(kernel)(*tuple(_d.values())))

</pallas_src>

<mosaic_0001>
#map = affine_map<(d0, d1) -> (0, 0)>
#map1 = affine_map<(d0, d1) -> (0)>
module attributes {stable_mosaic.version = 14 : i64} {
  func.func @_sc_agg_body(%arg0: i32, %arg1: i32, %arg2: memref<10000x128xf32, #tpu.memory_space<hbm>>, %arg3: memref<2560x128xi32, #tpu.memory_space<hbm>>, %arg4: memref<2560x128xi32, #tpu.memory_space<hbm>>, %arg5: memref<327680xf32, #tpu.memory_space<hbm>>, %arg6: memref<20000x128xf32, #tpu.memory_space<hbm>>, %arg7: memref<40x128xi32, #tpu.memory_space<vmem>>, %arg8: memref<40x128xi32, #tpu.memory_space<vmem>>, %arg9: memref<5120xf32, #tpu.memory_space<vmem>>, %arg10: memref<128x128xf32, #tpu.memory_space<vmem>>, %arg11: memref<128x128xf32, #tpu.memory_space<vmem>>, %arg12: memref<10000x128xf32, #tpu.memory_space<vmem_shared>>, %arg13: memref<!tpu.dma_semaphore, #tpu.memory_space<semaphore_mem>>, %arg14: memref<!tpu.dma_semaphore, #tpu.memory_space<semaphore_mem>>) attributes {dimension_semantics = [#tpu.dimension_semantics<core_parallel>, #tpu.dimension_semantics<subcore_parallel>], iteration_bounds = array<i64: 2, 16>, scalar_prefetch = 0 : i64, scratch_operands = 8 : i64, tpu.core_type = #tpu.core_type<sc_vector_subcore>, window_params = [{transform_indices = #map}, {transform_indices = #map}, {transform_indices = #map}, {transform_indices = #map1}, {transform_indices = #map}]} {
    %mul3A = arith.constant 16 : i32
    %mul3A_0 = arith.muli %arg0, %mul3A : i32
    %add3A = arith.addi %mul3A_0, %arg1 : i32
    %mul3A_1 = arith.constant 80 : i32
    %mul3A_2 = arith.muli %add3A, %mul3A_1 : i32
    %mul3A_3 = arith.constant 624 : i32
    %mul3A_4 = arith.muli %arg1, %mul3A_3 : i32
    %scan3A = arith.constant 0 : i32
    %scan3A_5 = arith.constant 0 : i32
    %scan3A_6 = arith.constant 128 : i32
    %scan3A_7 = arith.addi %scan3A_5, %scan3A_6 : i32
    %scan3A_8 = arith.constant 1 : i32
    scf.for %scan3A_37 = %scan3A_5 to %scan3A_7 step %scan3A_8  : i32 {
      %broadcast_in_dim3A = arith.constant 0.000000e+00 : f32
      %broadcast_in_dim3A_38 = vector.broadcast %broadcast_in_dim3A : f32 to vector<16xf32>
      %swap3A = arith.index_cast %scan3A_37 : i32 to index
      %swap3A_39 = arith.constant 0 : index
      %swap3A_40 = tpu.vector_load %arg10[%swap3A, %swap3A_39] {strides = array<i32>} : memref<128x128xf32, #tpu.memory_space<vmem>>, vector<16xf32>,
      tpu.vector_store %arg10[%swap3A, %swap3A_39], %broadcast_in_dim3A_38 {strides = array<i32>} : memref<128x128xf32, #tpu.memory_space<vmem>>, vector<16xf32>,
      %broadcast_in_dim3A_41 = arith.constant 0.000000e+00 : f32
      %broadcast_in_dim3A_42 = vector.broadcast %broadcast_in_dim3A_41 : f32 to vector<16xf32>
      %swap3A_43 = arith.index_cast %scan3A_37 : i32 to index
      %swap3A_44 = arith.constant 16 : index
      %swap3A_45 = tpu.vector_load %arg10[%swap3A_43, %swap3A_44] {strides = array<i32>} : memref<128x128xf32, #tpu.memory_space<vmem>>, vector<16xf32>,
      tpu.vector_store %arg10[%swap3A_43, %swap3A_44], %broadcast_in_dim3A_42 {strides = array<i32>} : memref<128x128xf32, #tpu.memory_space<vmem>>, vector<16xf32>,
      %broadcast_in_dim3A_46 = arith.constant 0.000000e+00 : f32
      %broadcast_in_dim3A_47 = vector.broadcast %broadcast_in_dim3A_46 : f32 to vector<16xf32>
      %swap3A_48 = arith.index_cast %scan3A_37 : i32 to index
      %swap3A_49 = arith.constant 32 : index
      %swap3A_50 = tpu.vector_load %arg10[%swap3A_48, %swap3A_49] {strides = array<i32>} : memref<128x128xf32, #tpu.memory_space<vmem>>, vector<16xf32>,
      tpu.vector_store %arg10[%swap3A_48, %swap3A_49], %broadcast_in_dim3A_47 {strides = array<i32>} : memref<128x128xf32, #tpu.memory_space<vmem>>, vector<16xf32>,
      %broadcast_in_dim3A_51 = arith.constant 0.000000e+00 : f32
      %broadcast_in_dim3A_52 = vector.broadcast %broadcast_in_dim3A_51 : f32 to vector<16xf32>
      %swap3A_53 = arith.index_cast %scan3A_37 : i32 to index
      %swap3A_54 = arith.constant 48 : index
      %swap3A_55 = tpu.vector_load %arg10[%swap3A_53, %swap3A_54] {strides = array<i32>} : memref<128x128xf32, #tpu.memory_space<vmem>>, vector<16xf32>,
      tpu.vector_store %arg10[%swap3A_53, %swap3A_54], %broadcast_in_dim3A_52 {strides = array<i32>} : memref<128x128xf32, #tpu.memory_space<vmem>>, vector<16xf32>,
      %broadcast_in_dim3A_56 = arith.constant 0.000000e+00 : f32
      %broadcast_in_dim3A_57 = vector.broadcast %broadcast_in_dim3A_56 : f32 to vector<16xf32>
      %swap3A_58 = arith.index_cast %scan3A_37 : i32 to index
      %swap3A_59 = arith.constant 64 : index
      %swap3A_60 = tpu.vector_load %arg10[%swap3A_58, %swap3A_59] {strides = array<i32>} : memref<128x128xf32, #tpu.memory_space<vmem>>, vector<16xf32>,
      tpu.vector_store %arg10[%swap3A_58, %swap3A_59], %broadcast_in_dim3A_57 {strides = array<i32>} : memref<128x128xf32, #tpu.memory_space<vmem>>, vector<16xf32>,
      %broadcast_in_dim3A_61 = arith.constant 0.000000e+00 : f32
      %broadcast_in_dim3A_62 = vector.broadcast %broadcast_in_dim3A_61 : f32 to vector<16xf32>
      %swap3A_63 = arith.index_cast %scan3A_37 : i32 to index
      %swap3A_64 = arith.constant 80 : index
      %swap3A_65 = tpu.vector_load %arg10[%swap3A_63, %swap3A_64] {strides = array<i32>} : memref<128x128xf32, #tpu.memory_space<vmem>>, vector<16xf32>,
      tpu.vector_store %arg10[%swap3A_63, %swap3A_64], %broadcast_in_dim3A_62 {strides = array<i32>} : memref<128x128xf32, #tpu.memory_space<vmem>>, vector<16xf32>,
      %broadcast_in_dim3A_66 = arith.constant 0.000000e+00 : f32
      %broadcast_in_dim3A_67 = vector.broadcast %broadcast_in_dim3A_66 : f32 to vector<16xf32>
      %swap3A_68 = arith.index_cast %scan3A_37 : i32 to index
      %swap3A_69 = arith.constant 96 : index
      %swap3A_70 = tpu.vector_load %arg10[%swap3A_68, %swap3A_69] {strides = array<i32>} : memref<128x128xf32, #tpu.memory_space<vmem>>, vector<16xf32>,
      tpu.vector_store %arg10[%swap3A_68, %swap3A_69], %broadcast_in_dim3A_67 {strides = array<i32>} : memref<128x128xf32, #tpu.memory_space<vmem>>, vector<16xf32>,
      %broadcast_in_dim3A_71 = arith.constant 0.000000e+00 : f32
      %broadcast_in_dim3A_72 = vector.broadcast %broadcast_in_dim3A_71 : f32 to vector<16xf32>
      %swap3A_73 = arith.index_cast %scan3A_37 : i32 to index
      %swap3A_74 = arith.constant 112 : index
      %swap3A_75 = tpu.vector_load %arg10[%swap3A_73, %swap3A_74] {strides = array<i32>} : memref<128x128xf32, #tpu.memory_space<vmem>>, vector<16xf32>,
      tpu.vector_store %arg10[%swap3A_73, %swap3A_74], %broadcast_in_dim3A_72 {strides = array<i32>} : memref<128x128xf32, #tpu.memory_space<vmem>>, vector<16xf32>,
    }
    %scan3A_9 = arith.constant 128 : i32
    %add3A_10 = arith.constant 0 : i32
    %add3A_11 = arith.addi %mul3A_4, %add3A_10 : i32
    "tpu.region"() ({
      %run_scoped3A = tpu.sem_alloc : memref<!tpu.dma_semaphore, #tpu.memory_space<semaphore_mem>>
      %dma_start3A = arith.constant 0 : i32
      %dma_start3A_37 = arith.constant 0 : i32
      %dma_start3A_38 = tpu.memref_slice %arg10[%dma_start3A, %dma_start3A_37] : memref<128x128xf32, #tpu.memory_space<vmem>> -> memref<128x128xf32, #tpu.memory_space<vmem>>
      %dma_start3A_39 = arith.constant 0 : i32
      %dma_start3A_40 = tpu.memref_slice %arg12[%add3A_11, %dma_start3A_39] : memref<10000x128xf32, #tpu.memory_space<vmem_shared>> -> memref<128x128xf32, #tpu.memory_space<vmem_shared>>
      %dma_start3A_41 = arith.constant 0 : i32
      %dma_start3A_42 = tpu.memref_slice %arg12[%add3A_11, %dma_start3A_41] : memref<10000x128xf32, #tpu.memory_space<vmem_shared>> -> memref<128x128xf32, #tpu.memory_space<vmem_shared>>
      %dma_start3A_43 = arith.constant 0 : i32
      %dma_start3A_44 = arith.constant 0 : i32
      %dma_start3A_45 = tpu.memref_slice %arg10[%dma_start3A_43, %dma_start3A_44] : memref<128x128xf32, #tpu.memory_space<vmem>> -> memref<128x128xf32, #tpu.memory_space<vmem>>
      tpu.enqueue_dma source(%dma_start3A_45 : memref<128x128xf32, #tpu.memory_space<vmem>>) target(%dma_start3A_42 : memref<128x128xf32, #tpu.memory_space<vmem_shared>>) target_semaphore(%run_scoped3A : memref<!tpu.dma_semaphore, #tpu.memory_space<semaphore_mem>>)
      %dma_wait3A = arith.constant 0 : i32
      %dma_wait3A_46 = arith.constant 0 : i32
      %dma_wait3A_47 = tpu.memref_slice %arg10[%dma_wait3A, %dma_wait3A_46] : memref<128x128xf32, #tpu.memory_space<vmem>> -> memref<128x128xf32, #tpu.memory_space<vmem>>
      %dma_wait3A_48 = arith.constant 0 : i32
      %dma_wait3A_49 = tpu.memref_slice %arg12[%add3A_11, %dma_wait3A_48] : memref<10000x128xf32, #tpu.memory_space<vmem_shared>> -> memref<128x128xf32, #tpu.memory_space<vmem_shared>>
      %dma_wait3A_50 = arith.constant 0 : i32
      %dma_wait3A_51 = tpu.memref_slice %arg12[%add3A_11, %dma_wait3A_50] : memref<10000x128xf32, #tpu.memory_space<vmem_shared>> -> memref<128x128xf32, #tpu.memory_space<vmem_shared>>
      %dma_wait3A_52 = arith.constant 0 : i32
      %dma_wait3A_53 = arith.constant 0 : i32
      %dma_wait3A_54 = tpu.memref_slice %arg10[%dma_wait3A_52, %dma_wait3A_53] : memref<128x128xf32, #tpu.memory_space<vmem>> -> memref<128x128xf32, #tpu.memory_space<vmem>>
      tpu.wait_dma2 semaphore(%run_scoped3A : memref<!tpu.dma_semaphore, #tpu.memory_space<semaphore_mem>>) src(%dma_wait3A_54 : memref<128x128xf32, #tpu.memory_space<vmem>>) dst(%dma_wait3A_51 : memref<128x128xf32, #tpu.memory_space<vmem_shared>>)
      tpu.yield
    }) : () -> ()
    %add3A_12 = arith.constant 128 : i32
    %add3A_13 = arith.addi %mul3A_4, %add3A_12 : i32
    "tpu.region"() ({
      %run_scoped3A = tpu.sem_alloc : memref<!tpu.dma_semaphore, #tpu.memory_space<semaphore_mem>>
      %dma_start3A = arith.constant 0 : i32
      %dma_start3A_37 = arith.constant 0 : i32
      %dma_start3A_38 = tpu.memref_slice %arg10[%dma_start3A, %dma_start3A_37] : memref<128x128xf32, #tpu.memory_space<vmem>> -> memref<128x128xf32, #tpu.memory_space<vmem>>
      %dma_start3A_39 = arith.constant 0 : i32
      %dma_start3A_40 = tpu.memref_slice %arg12[%add3A_13, %dma_start3A_39] : memref<10000x128xf32, #tpu.memory_space<vmem_shared>> -> memref<128x128xf32, #tpu.memory_space<vmem_shared>>
      %dma_start3A_41 = arith.constant 0 : i32
      %dma_start3A_42 = tpu.memref_slice %arg12[%add3A_13, %dma_start3A_41] : memref<10000x128xf32, #tpu.memory_space<vmem_shared>> -> memref<128x128xf32, #tpu.memory_space<vmem_shared>>
      %dma_start3A_43 = arith.constant 0 : i32
      %dma_start3A_44 = arith.constant 0 : i32
      %dma_start3A_45 = tpu.memref_slice %arg10[%dma_start3A_43, %dma_start3A_44] : memref<128x128xf32, #tpu.memory_space<vmem>> -> memref<128x128xf32, #tpu.memory_space<vmem>>
      tpu.enqueue_dma source(%dma_start3A_45 : memref<128x128xf32, #tpu.memory_space<vmem>>) target(%dma_start3A_42 : memref<128x128xf32, #tpu.memory_space<vmem_shared>>) target_semaphore(%run_scoped3A : memref<!tpu.dma_semaphore, #tpu.memory_space<semaphore_mem>>)
      %dma_wait3A = arith.constant 0 : i32
      %dma_wait3A_46 = arith.constant 0 : i32
      %dma_wait3A_47 = tpu.memref_slice %arg10[%dma_wait3A, %dma_wait3A_46] : memref<128x128xf32, #tpu.memory_space<vmem>> -> memref<128x128xf32, #tpu.memory_space<vmem>>
      %dma_wait3A_48 = arith.constant 0 : i32
      %dma_wait3A_49 = tpu.memref_slice %arg12[%add3A_13, %dma_wait3A_48] : memref<10000x128xf32, #tpu.memory_space<vmem_shared>> -> memref<128x128xf32, #tpu.memory_space<vmem_shared>>
      %dma_wait3A_50 = arith.constant 0 : i32
      %dma_wait3A_51 = tpu.memref_slice %arg12[%add3A_13, %dma_wait3A_50] : memref<10000x128xf32, #tpu.memory_space<vmem_shared>> -> memref<128x128xf32, #tpu.memory_space<vmem_shared>>
      %dma_wait3A_52 = arith.constant 0 : i32
      %dma_wait3A_53 = arith.constant 0 : i32
      %dma_wait3A_54 = tpu.memref_slice %arg10[%dma_wait3A_52, %dma_wait3A_53] : memref<128x128xf32, #tpu.memory_space<vmem>> -> memref<128x128xf32, #tpu.memory_space<vmem>>
      tpu.wait_dma2 semaphore(%run_scoped3A : memref<!tpu.dma_semaphore, #tpu.memory_space<semaphore_mem>>) src(%dma_wait3A_54 : memref<128x128xf32, #tpu.memory_space<vmem>>) dst(%dma_wait3A_51 : memref<128x128xf32, #tpu.memory_space<vmem_shared>>)
      tpu.yield
    }) : () -> ()
    %add3A_14 = arith.constant 256 : i32
    %add3A_15 = arith.addi %mul3A_4, %add3A_14 : i32
    "tpu.region"() ({
      %run_scoped3A = tpu.sem_alloc : memref<!tpu.dma_semaphore, #tpu.memory_space<semaphore_mem>>
      %dma_start3A = arith.constant 0 : i32
      %dma_start3A_37 = arith.constant 0 : i32
      %dma_start3A_38 = tpu.memref_slice %arg10[%dma_start3A, %dma_start3A_37] : memref<128x128xf32, #tpu.memory_space<vmem>> -> memref<128x128xf32, #tpu.memory_space<vmem>>
      %dma_start3A_39 = arith.constant 0 : i32
      %dma_start3A_40 = tpu.memref_slice %arg12[%add3A_15, %dma_start3A_39] : memref<10000x128xf32, #tpu.memory_space<vmem_shared>> -> memref<128x128xf32, #tpu.memory_space<vmem_shared>>
      %dma_start3A_41 = arith.constant 0 : i32
      %dma_start3A_42 = tpu.memref_slice %arg12[%add3A_15, %dma_start3A_41] : memref<10000x128xf32, #tpu.memory_space<vmem_shared>> -> memref<128x128xf32, #tpu.memory_space<vmem_shared>>
      %dma_start3A_43 = arith.constant 0 : i32
      %dma_start3A_44 = arith.constant 0 : i32
      %dma_start3A_45 = tpu.memref_slice %arg10[%dma_start3A_43, %dma_start3A_44] : memref<128x128xf32, #tpu.memory_space<vmem>> -> memref<128x128xf32, #tpu.memory_space<vmem>>
      tpu.enqueue_dma source(%dma_start3A_45 : memref<128x128xf32, #tpu.memory_space<vmem>>) target(%dma_start3A_42 : memref<128x128xf32, #tpu.memory_space<vmem_shared>>) target_semaphore(%run_scoped3A : memref<!tpu.dma_semaphore, #tpu.memory_space<semaphore_mem>>)
      %dma_wait3A = arith.constant 0 : i32
      %dma_wait3A_46 = arith.constant 0 : i32
      %dma_wait3A_47 = tpu.memref_slice %arg10[%dma_wait3A, %dma_wait3A_46] : memref<128x128xf32, #tpu.memory_space<vmem>> -> memref<128x128xf32, #tpu.memory_space<vmem>>
      %dma_wait3A_48 = arith.constant 0 : i32
      %dma_wait3A_49 = tpu.memref_slice %arg12[%add3A_15, %dma_wait3A_48] : memref<10000x128xf32, #tpu.memory_space<vmem_shared>> -> memref<128x128xf32, #tpu.memory_space<vmem_shared>>
      %dma_wait3A_50 = arith.constant 0 : i32
      %dma_wait3A_51 = tpu.memref_slice %arg12[%add3A_15, %dma_wait3A_50] : memref<10000x128xf32, #tpu.memory_space<vmem_shared>> -> memref<128x128xf32, #tpu.memory_space<vmem_shared>>
      %dma_wait3A_52 = arith.constant 0 : i32
      %dma_wait3A_53 = arith.constant 0 : i32
      %dma_wait3A_54 = tpu.memref_slice %arg10[%dma_wait3A_52, %dma_wait3A_53] : memref<128x128xf32, #tpu.memory_space<vmem>> -> memref<128x128xf32, #tpu.memory_space<vmem>>
      tpu.wait_dma2 semaphore(%run_scoped3A : memref<!tpu.dma_semaphore, #tpu.memory_space<semaphore_mem>>) src(%dma_wait3A_54 : memref<128x128xf32, #tpu.memory_space<vmem>>) dst(%dma_wait3A_51 : memref<128x128xf32, #tpu.memory_space<vmem_shared>>)
      tpu.yield
    }) : () -> ()
    %add3A_16 = arith.constant 384 : i32
    %add3A_17 = arith.addi %mul3A_4, %add3A_16 : i32
    "tpu.region"() ({
      %run_scoped3A = tpu.sem_alloc : memref<!tpu.dma_semaphore, #tpu.memory_space<semaphore_mem>>
      %dma_start3A = arith.constant 0 : i32
      %dma_start3A_37 = arith.constant 0 : i32
      %dma_start3A_38 = tpu.memref_slice %arg10[%dma_start3A, %dma_start3A_37] : memref<128x128xf32, #tpu.memory_space<vmem>> -> memref<128x128xf32, #tpu.memory_space<vmem>>
      %dma_start3A_39 = arith.constant 0 : i32
      %dma_start3A_40 = tpu.memref_slice %arg12[%add3A_17, %dma_start3A_39] : memref<10000x128xf32, #tpu.memory_space<vmem_shared>> -> memref<128x128xf32, #tpu.memory_space<vmem_shared>>
      %dma_start3A_41 = arith.constant 0 : i32
      %dma_start3A_42 = tpu.memref_slice %arg12[%add3A_17, %dma_start3A_41] : memref<10000x128xf32, #tpu.memory_space<vmem_shared>> -> memref<128x128xf32, #tpu.memory_space<vmem_shared>>
      %dma_start3A_43 = arith.constant 0 : i32
      %dma_start3A_44 = arith.constant 0 : i32
      %dma_start3A_45 = tpu.memref_slice %arg10[%dma_start3A_43, %dma_start3A_44] : memref<128x128xf32, #tpu.memory_space<vmem>> -> memref<128x128xf32, #tpu.memory_space<vmem>>
      tpu.enqueue_dma source(%dma_start3A_45 : memref<128x128xf32, #tpu.memory_space<vmem>>) target(%dma_start3A_42 : memref<128x128xf32, #tpu.memory_space<vmem_shared>>) target_semaphore(%run_scoped3A : memref<!tpu.dma_semaphore, #tpu.memory_space<semaphore_mem>>)
      %dma_wait3A = arith.constant 0 : i32
      %dma_wait3A_46 = arith.constant 0 : i32
      %dma_wait3A_47 = tpu.memref_slice %arg10[%dma_wait3A, %dma_wait3A_46] : memref<128x128xf32, #tpu.memory_space<vmem>> -> memref<128x128xf32, #tpu.memory_space<vmem>>
      %dma_wait3A_48 = arith.constant 0 : i32
      %dma_wait3A_49 = tpu.memref_slice %arg12[%add3A_17, %dma_wait3A_48] : memref<10000x128xf32, #tpu.memory_space<vmem_shared>> -> memref<128x128xf32, #tpu.memory_space<vmem_shared>>
      %dma_wait3A_50 = arith.constant 0 : i32
      %dma_wait3A_51 = tpu.memref_slice %arg12[%add3A_17, %dma_wait3A_50] : memref<10000x128xf32, #tpu.memory_space<vmem_shared>> -> memref<128x128xf32, #tpu.memory_space<vmem_shared>>
      %dma_wait3A_52 = arith.constant 0 : i32
      %dma_wait3A_53 = arith.constant 0 : i32
      %dma_wait3A_54 = tpu.memref_slice %arg10[%dma_wait3A_52, %dma_wait3A_53] : memref<128x128xf32, #tpu.memory_space<vmem>> -> memref<128x128xf32, #tpu.memory_space<vmem>>
      tpu.wait_dma2 semaphore(%run_scoped3A : memref<!tpu.dma_semaphore, #tpu.memory_space<semaphore_mem>>) src(%dma_wait3A_54 : memref<128x128xf32, #tpu.memory_space<vmem>>) dst(%dma_wait3A_51 : memref<128x128xf32, #tpu.memory_space<vmem_shared>>)
      tpu.yield
    }) : () -> ()
    %add3A_18 = arith.constant 512 : i32
    %add3A_19 = arith.addi %mul3A_4, %add3A_18 : i32
    "tpu.region"() ({
      %run_scoped3A = tpu.sem_alloc : memref<!tpu.dma_semaphore, #tpu.memory_space<semaphore_mem>>
      %dma_start3A = arith.constant 0 : i32
      %dma_start3A_37 = arith.constant 0 : i32
      %dma_start3A_38 = tpu.memref_slice %arg10[%dma_start3A, %dma_start3A_37] : memref<128x128xf32, #tpu.memory_space<vmem>> -> memref<112x128xf32, #tpu.memory_space<vmem>>
      %dma_start3A_39 = arith.constant 0 : i32
      %dma_start3A_40 = tpu.memref_slice %arg12[%add3A_19, %dma_start3A_39] : memref<10000x128xf32, #tpu.memory_space<vmem_shared>> -> memref<112x128xf32, #tpu.memory_space<vmem_shared>>
      %dma_start3A_41 = arith.constant 0 : i32
      %dma_start3A_42 = tpu.memref_slice %arg12[%add3A_19, %dma_start3A_41] : memref<10000x128xf32, #tpu.memory_space<vmem_shared>> -> memref<112x128xf32, #tpu.memory_space<vmem_shared>>
      %dma_start3A_43 = arith.constant 0 : i32
      %dma_start3A_44 = arith.constant 0 : i32
      %dma_start3A_45 = tpu.memref_slice %arg10[%dma_start3A_43, %dma_start3A_44] : memref<128x128xf32, #tpu.memory_space<vmem>> -> memref<112x128xf32, #tpu.memory_space<vmem>>
      tpu.enqueue_dma source(%dma_start3A_45 : memref<112x128xf32, #tpu.memory_space<vmem>>) target(%dma_start3A_42 : memref<112x128xf32, #tpu.memory_space<vmem_shared>>) target_semaphore(%run_scoped3A : memref<!tpu.dma_semaphore, #tpu.memory_space<semaphore_mem>>)
      %dma_wait3A = arith.constant 0 : i32
      %dma_wait3A_46 = arith.constant 0 : i32
      %dma_wait3A_47 = tpu.memref_slice %arg10[%dma_wait3A, %dma_wait3A_46] : memref<128x128xf32, #tpu.memory_space<vmem>> -> memref<112x128xf32, #tpu.memory_space<vmem>>
      %dma_wait3A_48 = arith.constant 0 : i32
      %dma_wait3A_49 = tpu.memref_slice %arg12[%add3A_19, %dma_wait3A_48] : memref<10000x128xf32, #tpu.memory_space<vmem_shared>> -> memref<112x128xf32, #tpu.memory_space<vmem_shared>>
      %dma_wait3A_50 = arith.constant 0 : i32
      %dma_wait3A_51 = tpu.memref_slice %arg12[%add3A_19, %dma_wait3A_50] : memref<10000x128xf32, #tpu.memory_space<vmem_shared>> -> memref<112x128xf32, #tpu.memory_space<vmem_shared>>
      %dma_wait3A_52 = arith.constant 0 : i32
      %dma_wait3A_53 = arith.constant 0 : i32
      %dma_wait3A_54 = tpu.memref_slice %arg10[%dma_wait3A_52, %dma_wait3A_53] : memref<128x128xf32, #tpu.memory_space<vmem>> -> memref<112x128xf32, #tpu.memory_space<vmem>>
      tpu.wait_dma2 semaphore(%run_scoped3A : memref<!tpu.dma_semaphore, #tpu.memory_space<semaphore_mem>>) src(%dma_wait3A_54 : memref<112x128xf32, #tpu.memory_space<vmem>>) dst(%dma_wait3A_51 : memref<112x128xf32, #tpu.memory_space<vmem_shared>>)
      tpu.yield
    }) : () -> ()
    %eq3A = arith.constant 15 : i32
    %eq3A_20 = arith.cmpi eq, %arg1, %eq3A : i32
    %convert_element_type3A = arith.extui %eq3A_20 : i1 to i32
    %cond3A = arith.constant 0 : i32
    %cond3A_21 = arith.cmpi ne, %convert_element_type3A, %cond3A : i32
    scf.if %cond3A_21 {
      "tpu.region"() ({
        %run_scoped3A = tpu.sem_alloc : memref<!tpu.dma_semaphore, #tpu.memory_space<semaphore_mem>>
        %dma_start3A = arith.constant 0 : i32
        %dma_start3A_37 = arith.constant 0 : i32
        %dma_start3A_38 = tpu.memref_slice %arg10[%dma_start3A, %dma_start3A_37] : memref<128x128xf32, #tpu.memory_space<vmem>> -> memref<16x128xf32, #tpu.memory_space<vmem>>
        %dma_start3A_39 = arith.constant 9984 : i32
        %dma_start3A_40 = arith.constant 0 : i32
        %dma_start3A_41 = tpu.memref_slice %arg12[%dma_start3A_39, %dma_start3A_40] : memref<10000x128xf32, #tpu.memory_space<vmem_shared>> -> memref<16x128xf32, #tpu.memory_space<vmem_shared>>
        %dma_start3A_42 = arith.constant 9984 : i32
        %dma_start3A_43 = arith.constant 0 : i32
        %dma_start3A_44 = tpu.memref_slice %arg12[%dma_start3A_42, %dma_start3A_43] : memref<10000x128xf32, #tpu.memory_space<vmem_shared>> -> memref<16x128xf32, #tpu.memory_space<vmem_shared>>
        %dma_start3A_45 = arith.constant 0 : i32
        %dma_start3A_46 = arith.constant 0 : i32
        %dma_start3A_47 = tpu.memref_slice %arg10[%dma_start3A_45, %dma_start3A_46] : memref<128x128xf32, #tpu.memory_space<vmem>> -> memref<16x128xf32, #tpu.memory_space<vmem>>
        tpu.enqueue_dma source(%dma_start3A_47 : memref<16x128xf32, #tpu.memory_space<vmem>>) target(%dma_start3A_44 : memref<16x128xf32, #tpu.memory_space<vmem_shared>>) target_semaphore(%run_scoped3A : memref<!tpu.dma_semaphore, #tpu.memory_space<semaphore_mem>>)
        %dma_wait3A = arith.constant 0 : i32
        %dma_wait3A_48 = arith.constant 0 : i32
        %dma_wait3A_49 = tpu.memref_slice %arg10[%dma_wait3A, %dma_wait3A_48] : memref<128x128xf32, #tpu.memory_space<vmem>> -> memref<16x128xf32, #tpu.memory_space<vmem>>
        %dma_wait3A_50 = arith.constant 9984 : i32
        %dma_wait3A_51 = arith.constant 0 : i32
        %dma_wait3A_52 = tpu.memref_slice %arg12[%dma_wait3A_50, %dma_wait3A_51] : memref<10000x128xf32, #tpu.memory_space<vmem_shared>> -> memref<16x128xf32, #tpu.memory_space<vmem_shared>>
        %dma_wait3A_53 = arith.constant 9984 : i32
        %dma_wait3A_54 = arith.constant 0 : i32
        %dma_wait3A_55 = tpu.memref_slice %arg12[%dma_wait3A_53, %dma_wait3A_54] : memref<10000x128xf32, #tpu.memory_space<vmem_shared>> -> memref<16x128xf32, #tpu.memory_space<vmem_shared>>
        %dma_wait3A_56 = arith.constant 0 : i32
        %dma_wait3A_57 = arith.constant 0 : i32
        %dma_wait3A_58 = tpu.memref_slice %arg10[%dma_wait3A_56, %dma_wait3A_57] : memref<128x128xf32, #tpu.memory_space<vmem>> -> memref<16x128xf32, #tpu.memory_space<vmem>>
        tpu.wait_dma2 semaphore(%run_scoped3A : memref<!tpu.dma_semaphore, #tpu.memory_space<semaphore_mem>>) src(%dma_wait3A_58 : memref<16x128xf32, #tpu.memory_space<vmem>>) dst(%dma_wait3A_55 : memref<16x128xf32, #tpu.memory_space<vmem_shared>>)
        tpu.yield
      }) : () -> ()
    } else {
    }
    %barrier3A = arith.constant 0 : index
    tpu.barrier barrier_id(%barrier3A)
    %scan3A_22 = arith.constant 0 : i32
    %scan3A_23 = arith.constant 0 : i32
    %scan3A_24 = arith.constant 2 : i32
    %scan3A_25 = arith.addi %scan3A_23, %scan3A_24 : i32
    %scan3A_26 = arith.constant 1 : i32
    scf.for %scan3A_37 = %scan3A_23 to %scan3A_25 step %scan3A_26  : i32 {
      %mul3A_38 = arith.constant 40 : i32
      %mul3A_39 = arith.muli %scan3A_37, %mul3A_38 : i32
      %add3A_40 = arith.addi %mul3A_2, %mul3A_39 : i32
      "tpu.region"() ({
        %run_scoped3A = tpu.sem_alloc : memref<!tpu.dma_semaphore, #tpu.memory_space<semaphore_mem>>
        %dma_start3A_55 = arith.constant 0 : i32
        %dma_start3A_56 = tpu.memref_slice %arg3[%add3A_40, %dma_start3A_55] : memref<2560x128xi32, #tpu.memory_space<hbm>> -> memref<40x128xi32, #tpu.memory_space<hbm>>
        %dma_start3A_57 = arith.constant 0 : i32
        %dma_start3A_58 = tpu.memref_slice %arg3[%add3A_40, %dma_start3A_57] : memref<2560x128xi32, #tpu.memory_space<hbm>> -> memref<40x128xi32, #tpu.memory_space<hbm>>
        tpu.enqueue_dma source(%dma_start3A_58 : memref<40x128xi32, #tpu.memory_space<hbm>>) target(%arg7 : memref<40x128xi32, #tpu.memory_space<vmem>>) target_semaphore(%run_scoped3A : memref<!tpu.dma_semaphore, #tpu.memory_space<semaphore_mem>>)
        %dma_wait3A = arith.constant 0 : i32
        %dma_wait3A_59 = tpu.memref_slice %arg3[%add3A_40, %dma_wait3A] : memref<2560x128xi32, #tpu.memory_space<hbm>> -> memref<40x128xi32, #tpu.memory_space<hbm>>
        %dma_wait3A_60 = arith.constant 0 : i32
        %dma_wait3A_61 = tpu.memref_slice %arg3[%add3A_40, %dma_wait3A_60] : memref<2560x128xi32, #tpu.memory_space<hbm>> -> memref<40x128xi32, #tpu.memory_space<hbm>>
        tpu.wait_dma2 semaphore(%run_scoped3A : memref<!tpu.dma_semaphore, #tpu.memory_space<semaphore_mem>>) src(%dma_wait3A_61 : memref<40x128xi32, #tpu.memory_space<hbm>>) dst(%arg7 : memref<40x128xi32, #tpu.memory_space<vmem>>)
        tpu.yield
      }) : () -> ()
      "tpu.region"() ({
        %run_scoped3A = tpu.sem_alloc : memref<!tpu.dma_semaphore, #tpu.memory_space<semaphore_mem>>
        %dma_start3A_55 = arith.constant 0 : i32
        %dma_start3A_56 = tpu.memref_slice %arg4[%add3A_40, %dma_start3A_55] : memref<2560x128xi32, #tpu.memory_space<hbm>> -> memref<40x128xi32, #tpu.memory_space<hbm>>
        %dma_start3A_57 = arith.constant 0 : i32
        %dma_start3A_58 = tpu.memref_slice %arg4[%add3A_40, %dma_start3A_57] : memref<2560x128xi32, #tpu.memory_space<hbm>> -> memref<40x128xi32, #tpu.memory_space<hbm>>
        tpu.enqueue_dma source(%dma_start3A_58 : memref<40x128xi32, #tpu.memory_space<hbm>>) target(%arg8 : memref<40x128xi32, #tpu.memory_space<vmem>>) target_semaphore(%run_scoped3A : memref<!tpu.dma_semaphore, #tpu.memory_space<semaphore_mem>>)
        %dma_wait3A = arith.constant 0 : i32
        %dma_wait3A_59 = tpu.memref_slice %arg4[%add3A_40, %dma_wait3A] : memref<2560x128xi32, #tpu.memory_space<hbm>> -> memref<40x128xi32, #tpu.memory_space<hbm>>
        %dma_wait3A_60 = arith.constant 0 : i32
        %dma_wait3A_61 = tpu.memref_slice %arg4[%add3A_40, %dma_wait3A_60] : memref<2560x128xi32, #tpu.memory_space<hbm>> -> memref<40x128xi32, #tpu.memory_space<hbm>>
        tpu.wait_dma2 semaphore(%run_scoped3A : memref<!tpu.dma_semaphore, #tpu.memory_space<semaphore_mem>>) src(%dma_wait3A_61 : memref<40x128xi32, #tpu.memory_space<hbm>>) dst(%arg8 : memref<40x128xi32, #tpu.memory_space<vmem>>)
        tpu.yield
      }) : () -> ()
      %mul3A_41 = arith.constant 128 : i32
      %mul3A_42 = arith.muli %add3A_40, %mul3A_41 : i32
      "tpu.region"() ({
        %run_scoped3A = tpu.sem_alloc : memref<!tpu.dma_semaphore, #tpu.memory_space<semaphore_mem>>
        %dma_start3A_55 = tpu.memref_slice %arg5[%mul3A_42] : memref<327680xf32, #tpu.memory_space<hbm>> -> memref<5120xf32, #tpu.memory_space<hbm>>
        %dma_start3A_56 = tpu.memref_slice %arg5[%mul3A_42] : memref<327680xf32, #tpu.memory_space<hbm>> -> memref<5120xf32, #tpu.memory_space<hbm>>
        tpu.enqueue_dma source(%dma_start3A_56 : memref<5120xf32, #tpu.memory_space<hbm>>) target(%arg9 : memref<5120xf32, #tpu.memory_space<vmem>>) target_semaphore(%run_scoped3A : memref<!tpu.dma_semaphore, #tpu.memory_space<semaphore_mem>>)
        %dma_wait3A = tpu.memref_slice %arg5[%mul3A_42] : memref<327680xf32, #tpu.memory_space<hbm>> -> memref<5120xf32, #tpu.memory_space<hbm>>
        %dma_wait3A_57 = tpu.memref_slice %arg5[%mul3A_42] : memref<327680xf32, #tpu.memory_space<hbm>> -> memref<5120xf32, #tpu.memory_space<hbm>>
        tpu.wait_dma2 semaphore(%run_scoped3A : memref<!tpu.dma_semaphore, #tpu.memory_space<semaphore_mem>>) src(%dma_wait3A_57 : memref<5120xf32, #tpu.memory_space<hbm>>) dst(%arg9 : memref<5120xf32, #tpu.memory_space<vmem>>)
        tpu.yield
      }) : () -> ()
      %dma_start3A = arith.constant 0 : i32
      %dma_start3A_43 = arith.constant 0 : i32
      %dma_start3A_44 = tpu.memref_slice %arg7[%dma_start3A, %dma_start3A_43] : memref<40x128xi32, #tpu.memory_space<vmem>> -> memref<1x128xi32, #tpu.memory_space<vmem>>
      %dma_start3A_45 = tpu.memref_squeeze %dma_start3A_44 : memref<1x128xi32, #tpu.memory_space<vmem>> -> memref<128xi32, #tpu.memory_space<vmem>>
      %dma_start3A_46 = arith.constant 0 : i32
      %dma_start3A_47 = arith.constant 0 : i32
      %dma_start3A_48 = tpu.memref_slice %arg2[%dma_start3A_46, %dma_start3A_47] : memref<10000x128xf32, #tpu.memory_space<hbm>> -> memref<10000x128xf32, #tpu.memory_space<hbm>>
      tpu.enqueue_indirect_dma source(%dma_start3A_48 : memref<10000x128xf32, #tpu.memory_space<hbm>>) target(%arg10 : memref<128x128xf32, #tpu.memory_space<vmem>>) offsets(%dma_start3A_45 : memref<128xi32, #tpu.memory_space<vmem>>) semaphore(%arg13 : memref<!tpu.dma_semaphore, #tpu.memory_space<semaphore_mem>>)
      %scan3A_49 = arith.constant 0 : i32
      %scan3A_50 = arith.constant 0 : i32
      %scan3A_51 = arith.constant 20 : i32
      %scan3A_52 = arith.addi %scan3A_50, %scan3A_51 : i32
      %scan3A_53 = arith.constant 1 : i32
      scf.for %scan3A_55 = %scan3A_50 to %scan3A_52 step %scan3A_53  : i32 {
        %mul3A_56 = arith.constant 2 : i32
        %mul3A_57 = arith.muli %mul3A_56, %scan3A_55 : i32
        %add3A_58 = arith.constant 1 : i32
        %add3A_59 = arith.addi %mul3A_57, %add3A_58 : i32
        %dma_start3A_60 = arith.constant 0 : i32
        %dma_start3A_61 = tpu.memref_slice %arg7[%add3A_59, %dma_start3A_60] : memref<40x128xi32, #tpu.memory_space<vmem>> -> memref<1x128xi32, #tpu.memory_space<vmem>>
        %dma_start3A_62 = tpu.memref_squeeze %dma_start3A_61 : memref<1x128xi32, #tpu.memory_space<vmem>> -> memref<128xi32, #tpu.memory_space<vmem>>
        %dma_start3A_63 = arith.constant 0 : i32
        %dma_start3A_64 = arith.constant 0 : i32
        %dma_start3A_65 = tpu.memref_slice %arg2[%dma_start3A_63, %dma_start3A_64] : memref<10000x128xf32, #tpu.memory_space<hbm>> -> memref<10000x128xf32, #tpu.memory_space<hbm>>
        tpu.enqueue_indirect_dma source(%dma_start3A_65 : memref<10000x128xf32, #tpu.memory_space<hbm>>) target(%arg11 : memref<128x128xf32, #tpu.memory_space<vmem>>) offsets(%dma_start3A_62 : memref<128xi32, #tpu.memory_space<vmem>>) semaphore(%arg14 : memref<!tpu.dma_semaphore, #tpu.memory_space<semaphore_mem>>)
        %dma_wait3A = arith.constant 0 : i32
        %dma_wait3A_66 = tpu.memref_slice %arg7[%mul3A_57, %dma_wait3A] : memref<40x128xi32, #tpu.memory_space<vmem>> -> memref<1x128xi32, #tpu.memory_space<vmem>>
        %dma_wait3A_67 = tpu.memref_squeeze %dma_wait3A_66 : memref<1x128xi32, #tpu.memory_space<vmem>> -> memref<128xi32, #tpu.memory_space<vmem>>
        %dma_wait3A_68 = arith.constant 0 : i32
        %dma_wait3A_69 = arith.constant 0 : i32
        %dma_wait3A_70 = tpu.memref_slice %arg2[%dma_wait3A_68, %dma_wait3A_69] : memref<10000x128xf32, #tpu.memory_space<hbm>> -> memref<10000x128xf32, #tpu.memory_space<hbm>>
        tpu.wait_indirect_dma semaphore(%arg13 : memref<!tpu.dma_semaphore, #tpu.memory_space<semaphore_mem>>) src(%dma_wait3A_70 : memref<10000x128xf32, #tpu.memory_space<hbm>>) dst(%arg10 : memref<128x128xf32, #tpu.memory_space<vmem>>)
        %parallel_loop3A = arith.constant 0 : i32
        %parallel_loop3A_71 = arith.constant 128 : i32
        %parallel_loop3A_72 = arith.constant 1 : i32
        scf.for %parallel_loop3A_92 = %parallel_loop3A to %parallel_loop3A_71 step %parallel_loop3A_72  : i32 {
          %parallel_loop3A_93 = arith.constant 128 : i32
          %parallel_loop3A_94 = arith.muli %mul3A_57, %parallel_loop3A_93 : i32
          %parallel_loop3A_95 = arith.addi %parallel_loop3A_94, %parallel_loop3A_92 : i32
          %parallel_loop3A_96 = vector.broadcast %parallel_loop3A_95 : i32 to vector<16xi32>
          %parallel_loop3A_97 = tpu.vector_load_idx %arg9[%parallel_loop3A_96] : memref<5120xf32, #tpu.memory_space<vmem>>[vector<16xi32>], vector<16xf32>,
          %parallel_loop3A_98 = arith.index_cast %parallel_loop3A_92 : i32 to index
          %parallel_loop3A_99 = arith.constant 0 : index
          %parallel_loop3A_100 = tpu.vector_load %arg10[%parallel_loop3A_98, %parallel_loop3A_99] {strides = array<i32>} : memref<128x128xf32, #tpu.memory_space<vmem>>, vector<16xf32>,
          %parallel_loop3A_101 = arith.mulf %parallel_loop3A_100, %parallel_loop3A_97 : vector<16xf32>
          %parallel_loop3A_102 = arith.index_cast %parallel_loop3A_92 : i32 to index
          %parallel_loop3A_103 = arith.constant 0 : index
          %parallel_loop3A_104 = tpu.vector_load %arg10[%parallel_loop3A_102, %parallel_loop3A_103] {strides = array<i32>} : memref<128x128xf32, #tpu.memory_space<vmem>>, vector<16xf32>,
          tpu.vector_store %arg10[%parallel_loop3A_102, %parallel_loop3A_103], %parallel_loop3A_101 {strides = array<i32>} : memref<128x128xf32, #tpu.memory_space<vmem>>, vector<16xf32>,
          %parallel_loop3A_105 = arith.index_cast %parallel_loop3A_92 : i32 to index
          %parallel_loop3A_106 = arith.constant 16 : index
          %parallel_loop3A_107 = tpu.vector_load %arg10[%parallel_loop3A_105, %parallel_loop3A_106] {strides = array<i32>} : memref<128x128xf32, #tpu.memory_space<vmem>>, vector<16xf32>,
          %parallel_loop3A_108 = arith.mulf %parallel_loop3A_107, %parallel_loop3A_97 : vector<16xf32>
          %parallel_loop3A_109 = arith.index_cast %parallel_loop3A_92 : i32 to index
          %parallel_loop3A_110 = arith.constant 16 : index
          %parallel_loop3A_111 = tpu.vector_load %arg10[%parallel_loop3A_109, %parallel_loop3A_110] {strides = array<i32>} : memref<128x128xf32, #tpu.memory_space<vmem>>, vector<16xf32>,
          tpu.vector_store %arg10[%parallel_loop3A_109, %parallel_loop3A_110], %parallel_loop3A_108 {strides = array<i32>} : memref<128x128xf32, #tpu.memory_space<vmem>>, vector<16xf32>,
          %parallel_loop3A_112 = arith.index_cast %parallel_loop3A_92 : i32 to index
          %parallel_loop3A_113 = arith.constant 32 : index
          %parallel_loop3A_114 = tpu.vector_load %arg10[%parallel_loop3A_112, %parallel_loop3A_113] {strides = array<i32>} : memref<128x128xf32, #tpu.memory_space<vmem>>, vector<16xf32>,
          %parallel_loop3A_115 = arith.mulf %parallel_loop3A_114, %parallel_loop3A_97 : vector<16xf32>
          %parallel_loop3A_116 = arith.index_cast %parallel_loop3A_92 : i32 to index
          %parallel_loop3A_117 = arith.constant 32 : index
          %parallel_loop3A_118 = tpu.vector_load %arg10[%parallel_loop3A_116, %parallel_loop3A_117] {strides = array<i32>} : memref<128x128xf32, #tpu.memory_space<vmem>>, vector<16xf32>,
          tpu.vector_store %arg10[%parallel_loop3A_116, %parallel_loop3A_117], %parallel_loop3A_115 {strides = array<i32>} : memref<128x128xf32, #tpu.memory_space<vmem>>, vector<16xf32>,
          %parallel_loop3A_119 = arith.index_cast %parallel_loop3A_92 : i32 to index
          %parallel_loop3A_120 = arith.constant 48 : index
          %parallel_loop3A_121 = tpu.vector_load %arg10[%parallel_loop3A_119, %parallel_loop3A_120] {strides = array<i32>} : memref<128x128xf32, #tpu.memory_space<vmem>>, vector<16xf32>,
          %parallel_loop3A_122 = arith.mulf %parallel_loop3A_121, %parallel_loop3A_97 : vector<16xf32>
          %parallel_loop3A_123 = arith.index_cast %parallel_loop3A_92 : i32 to index
          %parallel_loop3A_124 = arith.constant 48 : index
          %parallel_loop3A_125 = tpu.vector_load %arg10[%parallel_loop3A_123, %parallel_loop3A_124] {strides = array<i32>} : memref<128x128xf32, #tpu.memory_space<vmem>>, vector<16xf32>,
          tpu.vector_store %arg10[%parallel_loop3A_123, %parallel_loop3A_124], %parallel_loop3A_122 {strides = array<i32>} : memref<128x128xf32, #tpu.memory_space<vmem>>, vector<16xf32>,
          %parallel_loop3A_126 = arith.index_cast %parallel_loop3A_92 : i32 to index
          %parallel_loop3A_127 = arith.constant 64 : index
          %parallel_loop3A_128 = tpu.vector_load %arg10[%parallel_loop3A_126, %parallel_loop3A_127] {strides = array<i32>} : memref<128x128xf32, #tpu.memory_space<vmem>>, vector<16xf32>,
          %parallel_loop3A_129 = arith.mulf %parallel_loop3A_128, %parallel_loop3A_97 : vector<16xf32>
          %parallel_loop3A_130 = arith.index_cast %parallel_loop3A_92 : i32 to index
          %parallel_loop3A_131 = arith.constant 64 : index
          %parallel_loop3A_132 = tpu.vector_load %arg10[%parallel_loop3A_130, %parallel_loop3A_131] {strides = array<i32>} : memref<128x128xf32, #tpu.memory_space<vmem>>, vector<16xf32>,
          tpu.vector_store %arg10[%parallel_loop3A_130, %parallel_loop3A_131], %parallel_loop3A_129 {strides = array<i32>} : memref<128x128xf32, #tpu.memory_space<vmem>>, vector<16xf32>,
          %parallel_loop3A_133 = arith.index_cast %parallel_loop3A_92 : i32 to index
          %parallel_loop3A_134 = arith.constant 80 : index
          %parallel_loop3A_135 = tpu.vector_load %arg10[%parallel_loop3A_133, %parallel_loop3A_134] {strides = array<i32>} : memref<128x128xf32, #tpu.memory_space<vmem>>, vector<16xf32>,
          %parallel_loop3A_136 = arith.mulf %parallel_loop3A_135, %parallel_loop3A_97 : vector<16xf32>
          %parallel_loop3A_137 = arith.index_cast %parallel_loop3A_92 : i32 to index
          %parallel_loop3A_138 = arith.constant 80 : index
          %parallel_loop3A_139 = tpu.vector_load %arg10[%parallel_loop3A_137, %parallel_loop3A_138] {strides = array<i32>} : memref<128x128xf32, #tpu.memory_space<vmem>>, vector<16xf32>,
          tpu.vector_store %arg10[%parallel_loop3A_137, %parallel_loop3A_138], %parallel_loop3A_136 {strides = array<i32>} : memref<128x128xf32, #tpu.memory_space<vmem>>, vector<16xf32>,
          %parallel_loop3A_140 = arith.index_cast %parallel_loop3A_92 : i32 to index
          %parallel_loop3A_141 = arith.constant 96 : index
          %parallel_loop3A_142 = tpu.vector_load %arg10[%parallel_loop3A_140, %parallel_loop3A_141] {strides = array<i32>} : memref<128x128xf32, #tpu.memory_space<vmem>>, vector<16xf32>,
          %parallel_loop3A_143 = arith.mulf %parallel_loop3A_142, %parallel_loop3A_97 : vector<16xf32>
          %parallel_loop3A_144 = arith.index_cast %parallel_loop3A_92 : i32 to index
          %parallel_loop3A_145 = arith.constant 96 : index
          %parallel_loop3A_146 = tpu.vector_load %arg10[%parallel_loop3A_144, %parallel_loop3A_145] {strides = array<i32>} : memref<128x128xf32, #tpu.memory_space<vmem>>, vector<16xf32>,
          tpu.vector_store %arg10[%parallel_loop3A_144, %parallel_loop3A_145], %parallel_loop3A_143 {strides = array<i32>} : memref<128x128xf32, #tpu.memory_space<vmem>>, vector<16xf32>,
          %parallel_loop3A_147 = arith.index_cast %parallel_loop3A_92 : i32 to index
          %parallel_loop3A_148 = arith.constant 112 : index
          %parallel_loop3A_149 = tpu.vector_load %arg10[%parallel_loop3A_147, %parallel_loop3A_148] {strides = array<i32>} : memref<128x128xf32, #tpu.memory_space<vmem>>, vector<16xf32>,
          %parallel_loop3A_150 = arith.mulf %parallel_loop3A_149, %parallel_loop3A_97 : vector<16xf32>
          %parallel_loop3A_151 = arith.index_cast %parallel_loop3A_92 : i32 to index
          %parallel_loop3A_152 = arith.constant 112 : index
          %parallel_loop3A_153 = tpu.vector_load %arg10[%parallel_loop3A_151, %parallel_loop3A_152] {strides = array<i32>} : memref<128x128xf32, #tpu.memory_space<vmem>>, vector<16xf32>,
          tpu.vector_store %arg10[%parallel_loop3A_151, %parallel_loop3A_152], %parallel_loop3A_150 {strides = array<i32>} : memref<128x128xf32, #tpu.memory_space<vmem>>, vector<16xf32>,
        } {sc.loop_unroll_factor = 8 : i64, sc.parallel_access}
        "tpu.region"() ({
          %run_scoped3A = tpu.sem_alloc : memref<!tpu.dma_semaphore, #tpu.memory_space<semaphore_mem>>
          %dma_start3A_92 = arith.constant 0 : i32
          %dma_start3A_93 = tpu.memref_slice %arg8[%mul3A_57, %dma_start3A_92] : memref<40x128xi32, #tpu.memory_space<vmem>> -> memref<1x128xi32, #tpu.memory_space<vmem>>
          %dma_start3A_94 = tpu.memref_squeeze %dma_start3A_93 : memref<1x128xi32, #tpu.memory_space<vmem>> -> memref<128xi32, #tpu.memory_space<vmem>>
          %dma_start3A_95 = arith.constant 0 : i32
          %dma_start3A_96 = arith.constant 0 : i32
          %dma_start3A_97 = tpu.memref_slice %arg12[%dma_start3A_95, %dma_start3A_96] : memref<10000x128xf32, #tpu.memory_space<vmem_shared>> -> memref<10000x128xf32, #tpu.memory_space<vmem_shared>>
          tpu.enqueue_indirect_dma source(%arg10 : memref<128x128xf32, #tpu.memory_space<vmem>>) target(%dma_start3A_97 : memref<10000x128xf32, #tpu.memory_space<vmem_shared>>) offsets(%dma_start3A_94 : memref<128xi32, #tpu.memory_space<vmem>>) semaphore(%run_scoped3A : memref<!tpu.dma_semaphore, #tpu.memory_space<semaphore_mem>>) {add = true}
          %dma_wait3A_98 = arith.constant 0 : i32
          %dma_wait3A_99 = tpu.memref_slice %arg8[%mul3A_57, %dma_wait3A_98] : memref<40x128xi32, #tpu.memory_space<vmem>> -> memref<1x128xi32, #tpu.memory_space<vmem>>
          %dma_wait3A_100 = tpu.memref_squeeze %dma_wait3A_99 : memref<1x128xi32, #tpu.memory_space<vmem>> -> memref<128xi32, #tpu.memory_space<vmem>>
          %dma_wait3A_101 = arith.constant 0 : i32
          %dma_wait3A_102 = arith.constant 0 : i32
          %dma_wait3A_103 = tpu.memref_slice %arg12[%dma_wait3A_101, %dma_wait3A_102] : memref<10000x128xf32, #tpu.memory_space<vmem_shared>> -> memref<10000x128xf32, #tpu.memory_space<vmem_shared>>
          tpu.wait_indirect_dma semaphore(%run_scoped3A : memref<!tpu.dma_semaphore, #tpu.memory_space<semaphore_mem>>) src(%arg10 : memref<128x128xf32, #tpu.memory_space<vmem>>) dst(%dma_wait3A_103 : memref<10000x128xf32, #tpu.memory_space<vmem_shared>>)
          tpu.yield
        }) : () -> ()
        %add3A_73 = arith.constant 2 : i32
        %add3A_74 = arith.addi %mul3A_57, %add3A_73 : i32
        %lt3A = arith.constant 40 : i32
        %lt3A_75 = arith.cmpi slt, %add3A_74, %lt3A : i32
        %convert_element_type3A_76 = arith.extui %lt3A_75 : i1 to i32
        %cond3A_77 = arith.constant 0 : i32
        %cond3A_78 = arith.cmpi ne, %convert_element_type3A_76, %cond3A_77 : i32
        scf.if %cond3A_78 {
          %add3A_92 = arith.constant 2 : i32
          %add3A_93 = arith.addi %mul3A_57, %add3A_92 : i32
          %dma_start3A_94 = arith.constant 0 : i32
          %dma_start3A_95 = tpu.memref_slice %arg7[%add3A_93, %dma_start3A_94] : memref<40x128xi32, #tpu.memory_space<vmem>> -> memref<1x128xi32, #tpu.memory_space<vmem>>
          %dma_start3A_96 = tpu.memref_squeeze %dma_start3A_95 : memref<1x128xi32, #tpu.memory_space<vmem>> -> memref<128xi32, #tpu.memory_space<vmem>>
          %dma_start3A_97 = arith.constant 0 : i32
          %dma_start3A_98 = arith.constant 0 : i32
          %dma_start3A_99 = tpu.memref_slice %arg2[%dma_start3A_97, %dma_start3A_98] : memref<10000x128xf32, #tpu.memory_space<hbm>> -> memref<10000x128xf32, #tpu.memory_space<hbm>>
          tpu.enqueue_indirect_dma source(%dma_start3A_99 : memref<10000x128xf32, #tpu.memory_space<hbm>>) target(%arg10 : memref<128x128xf32, #tpu.memory_space<vmem>>) offsets(%dma_start3A_96 : memref<128xi32, #tpu.memory_space<vmem>>) semaphore(%arg13 : memref<!tpu.dma_semaphore, #tpu.memory_space<semaphore_mem>>)
        } else {
        }
        %add3A_79 = arith.constant 1 : i32
        %add3A_80 = arith.addi %mul3A_57, %add3A_79 : i32
        %dma_wait3A_81 = arith.constant 0 : i32
        %dma_wait3A_82 = tpu.memref_slice %arg7[%add3A_80, %dma_wait3A_81] : memref<40x128xi32, #tpu.memory_space<vmem>> -> memref<1x128xi32, #tpu.memory_space<vmem>>
        %dma_wait3A_83 = tpu.memref_squeeze %dma_wait3A_82 : memref<1x128xi32, #tpu.memory_space<vmem>> -> memref<128xi32, #tpu.memory_space<vmem>>
        %dma_wait3A_84 = arith.constant 0 : i32
        %dma_wait3A_85 = arith.constant 0 : i32
        %dma_wait3A_86 = tpu.memref_slice %arg2[%dma_wait3A_84, %dma_wait3A_85] : memref<10000x128xf32, #tpu.memory_space<hbm>> -> memref<10000x128xf32, #tpu.memory_space<hbm>>
        tpu.wait_indirect_dma semaphore(%arg14 : memref<!tpu.dma_semaphore, #tpu.memory_space<semaphore_mem>>) src(%dma_wait3A_86 : memref<10000x128xf32, #tpu.memory_space<hbm>>) dst(%arg11 : memref<128x128xf32, #tpu.memory_space<vmem>>)
        %add3A_87 = arith.constant 1 : i32
        %add3A_88 = arith.addi %mul3A_57, %add3A_87 : i32
        %parallel_loop3A_89 = arith.constant 0 : i32
        %parallel_loop3A_90 = arith.constant 128 : i32
        %parallel_loop3A_91 = arith.constant 1 : i32
        scf.for %parallel_loop3A_92 = %parallel_loop3A_89 to %parallel_loop3A_90 step %parallel_loop3A_91  : i32 {
          %parallel_loop3A_93 = arith.constant 128 : i32
          %parallel_loop3A_94 = arith.muli %add3A_88, %parallel_loop3A_93 : i32
          %parallel_loop3A_95 = arith.addi %parallel_loop3A_94, %parallel_loop3A_92 : i32
          %parallel_loop3A_96 = vector.broadcast %parallel_loop3A_95 : i32 to vector<16xi32>
          %parallel_loop3A_97 = tpu.vector_load_idx %arg9[%parallel_loop3A_96] : memref<5120xf32, #tpu.memory_space<vmem>>[vector<16xi32>], vector<16xf32>,
          %parallel_loop3A_98 = arith.index_cast %parallel_loop3A_92 : i32 to index
          %parallel_loop3A_99 = arith.constant 0 : index
          %parallel_loop3A_100 = tpu.vector_load %arg11[%parallel_loop3A_98, %parallel_loop3A_99] {strides = array<i32>} : memref<128x128xf32, #tpu.memory_space<vmem>>, vector<16xf32>,
          %parallel_loop3A_101 = arith.mulf %parallel_loop3A_100, %parallel_loop3A_97 : vector<16xf32>
          %parallel_loop3A_102 = arith.index_cast %parallel_loop3A_92 : i32 to index
          %parallel_loop3A_103 = arith.constant 0 : index
          %parallel_loop3A_104 = tpu.vector_load %arg11[%parallel_loop3A_102, %parallel_loop3A_103] {strides = array<i32>} : memref<128x128xf32, #tpu.memory_space<vmem>>, vector<16xf32>,
          tpu.vector_store %arg11[%parallel_loop3A_102, %parallel_loop3A_103], %parallel_loop3A_101 {strides = array<i32>} : memref<128x128xf32, #tpu.memory_space<vmem>>, vector<16xf32>,
          %parallel_loop3A_105 = arith.index_cast %parallel_loop3A_92 : i32 to index
          %parallel_loop3A_106 = arith.constant 16 : index
          %parallel_loop3A_107 = tpu.vector_load %arg11[%parallel_loop3A_105, %parallel_loop3A_106] {strides = array<i32>} : memref<128x128xf32, #tpu.memory_space<vmem>>, vector<16xf32>,
          %parallel_loop3A_108 = arith.mulf %parallel_loop3A_107, %parallel_loop3A_97 : vector<16xf32>
          %parallel_loop3A_109 = arith.index_cast %parallel_loop3A_92 : i32 to index
          %parallel_loop3A_110 = arith.constant 16 : index
          %parallel_loop3A_111 = tpu.vector_load %arg11[%parallel_loop3A_109, %parallel_loop3A_110] {strides = array<i32>} : memref<128x128xf32, #tpu.memory_space<vmem>>, vector<16xf32>,
          tpu.vector_store %arg11[%parallel_loop3A_109, %parallel_loop3A_110], %parallel_loop3A_108 {strides = array<i32>} : memref<128x128xf32, #tpu.memory_space<vmem>>, vector<16xf32>,
          %parallel_loop3A_112 = arith.index_cast %parallel_loop3A_92 : i32 to index
          %parallel_loop3A_113 = arith.constant 32 : index
          %parallel_loop3A_114 = tpu.vector_load %arg11[%parallel_loop3A_112, %parallel_loop3A_113] {strides = array<i32>} : memref<128x128xf32, #tpu.memory_space<vmem>>, vector<16xf32>,
          %parallel_loop3A_115 = arith.mulf %parallel_loop3A_114, %parallel_loop3A_97 : vector<16xf32>
          %parallel_loop3A_116 = arith.index_cast %parallel_loop3A_92 : i32 to index
          %parallel_loop3A_117 = arith.constant 32 : index
          %parallel_loop3A_118 = tpu.vector_load %arg11[%parallel_loop3A_116, %parallel_loop3A_117] {strides = array<i32>} : memref<128x128xf32, #tpu.memory_space<vmem>>, vector<16xf32>,
          tpu.vector_store %arg11[%parallel_loop3A_116, %parallel_loop3A_117], %parallel_loop3A_115 {strides = array<i32>} : memref<128x128xf32, #tpu.memory_space<vmem>>, vector<16xf32>,
          %parallel_loop3A_119 = arith.index_cast %parallel_loop3A_92 : i32 to index
          %parallel_loop3A_120 = arith.constant 48 : index
          %parallel_loop3A_121 = tpu.vector_load %arg11[%parallel_loop3A_119, %parallel_loop3A_120] {strides = array<i32>} : memref<128x128xf32, #tpu.memory_space<vmem>>, vector<16xf32>,
          %parallel_loop3A_122 = arith.mulf %parallel_loop3A_121, %parallel_loop3A_97 : vector<16xf32>
          %parallel_loop3A_123 = arith.index_cast %parallel_loop3A_92 : i32 to index
          %parallel_loop3A_124 = arith.constant 48 : index
          %parallel_loop3A_125 = tpu.vector_load %arg11[%parallel_loop3A_123, %parallel_loop3A_124] {strides = array<i32>} : memref<128x128xf32, #tpu.memory_space<vmem>>, vector<16xf32>,
          tpu.vector_store %arg11[%parallel_loop3A_123, %parallel_loop3A_124], %parallel_loop3A_122 {strides = array<i32>} : memref<128x128xf32, #tpu.memory_space<vmem>>, vector<16xf32>,
          %parallel_loop3A_126 = arith.index_cast %parallel_loop3A_92 : i32 to index
          %parallel_loop3A_127 = arith.constant 64 : index
          %parallel_loop3A_128 = tpu.vector_load %arg11[%parallel_loop3A_126, %parallel_loop3A_127] {strides = array<i32>} : memref<128x128xf32, #tpu.memory_space<vmem>>, vector<16xf32>,
          %parallel_loop3A_129 = arith.mulf %parallel_loop3A_128, %parallel_loop3A_97 : vector<16xf32>
          %parallel_loop3A_130 = arith.index_cast %parallel_loop3A_92 : i32 to index
          %parallel_loop3A_131 = arith.constant 64 : index
          %parallel_loop3A_132 = tpu.vector_load %arg11[%parallel_loop3A_130, %parallel_loop3A_131] {strides = array<i32>} : memref<128x128xf32, #tpu.memory_space<vmem>>, vector<16xf32>,
          tpu.vector_store %arg11[%parallel_loop3A_130, %parallel_loop3A_131], %parallel_loop3A_129 {strides = array<i32>} : memref<128x128xf32, #tpu.memory_space<vmem>>, vector<16xf32>,
          %parallel_loop3A_133 = arith.index_cast %parallel_loop3A_92 : i32 to index
          %parallel_loop3A_134 = arith.constant 80 : index
          %parallel_loop3A_135 = tpu.vector_load %arg11[%parallel_loop3A_133, %parallel_loop3A_134] {strides = array<i32>} : memref<128x128xf32, #tpu.memory_space<vmem>>, vector<16xf32>,
          %parallel_loop3A_136 = arith.mulf %parallel_loop3A_135, %parallel_loop3A_97 : vector<16xf32>
          %parallel_loop3A_137 = arith.index_cast %parallel_loop3A_92 : i32 to index
          %parallel_loop3A_138 = arith.constant 80 : index
          %parallel_loop3A_139 = tpu.vector_load %arg11[%parallel_loop3A_137, %parallel_loop3A_138] {strides = array<i32>} : memref<128x128xf32, #tpu.memory_space<vmem>>, vector<16xf32>,
          tpu.vector_store %arg11[%parallel_loop3A_137, %parallel_loop3A_138], %parallel_loop3A_136 {strides = array<i32>} : memref<128x128xf32, #tpu.memory_space<vmem>>, vector<16xf32>,
          %parallel_loop3A_140 = arith.index_cast %parallel_loop3A_92 : i32 to index
          %parallel_loop3A_141 = arith.constant 96 : index
          %parallel_loop3A_142 = tpu.vector_load %arg11[%parallel_loop3A_140, %parallel_loop3A_141] {strides = array<i32>} : memref<128x128xf32, #tpu.memory_space<vmem>>, vector<16xf32>,
          %parallel_loop3A_143 = arith.mulf %parallel_loop3A_142, %parallel_loop3A_97 : vector<16xf32>
          %parallel_loop3A_144 = arith.index_cast %parallel_loop3A_92 : i32 to index
          %parallel_loop3A_145 = arith.constant 96 : index
          %parallel_loop3A_146 = tpu.vector_load %arg11[%parallel_loop3A_144, %parallel_loop3A_145] {strides = array<i32>} : memref<128x128xf32, #tpu.memory_space<vmem>>, vector<16xf32>,
          tpu.vector_store %arg11[%parallel_loop3A_144, %parallel_loop3A_145], %parallel_loop3A_143 {strides = array<i32>} : memref<128x128xf32, #tpu.memory_space<vmem>>, vector<16xf32>,
          %parallel_loop3A_147 = arith.index_cast %parallel_loop3A_92 : i32 to index
          %parallel_loop3A_148 = arith.constant 112 : index
          %parallel_loop3A_149 = tpu.vector_load %arg11[%parallel_loop3A_147, %parallel_loop3A_148] {strides = array<i32>} : memref<128x128xf32, #tpu.memory_space<vmem>>, vector<16xf32>,
          %parallel_loop3A_150 = arith.mulf %parallel_loop3A_149, %parallel_loop3A_97 : vector<16xf32>
          %parallel_loop3A_151 = arith.index_cast %parallel_loop3A_92 : i32 to index
          %parallel_loop3A_152 = arith.constant 112 : index
          %parallel_loop3A_153 = tpu.vector_load %arg11[%parallel_loop3A_151, %parallel_loop3A_152] {strides = array<i32>} : memref<128x128xf32, #tpu.memory_space<vmem>>, vector<16xf32>,
          tpu.vector_store %arg11[%parallel_loop3A_151, %parallel_loop3A_152], %parallel_loop3A_150 {strides = array<i32>} : memref<128x128xf32, #tpu.memory_space<vmem>>, vector<16xf32>,
        } {sc.loop_unroll_factor = 8 : i64, sc.parallel_access}
        "tpu.region"() ({
          %run_scoped3A = tpu.sem_alloc : memref<!tpu.dma_semaphore, #tpu.memory_space<semaphore_mem>>
          %dma_start3A_92 = arith.constant 0 : i32
          %dma_start3A_93 = tpu.memref_slice %arg8[%add3A_88, %dma_start3A_92] : memref<40x128xi32, #tpu.memory_space<vmem>> -> memref<1x128xi32, #tpu.memory_space<vmem>>
          %dma_start3A_94 = tpu.memref_squeeze %dma_start3A_93 : memref<1x128xi32, #tpu.memory_space<vmem>> -> memref<128xi32, #tpu.memory_space<vmem>>
          %dma_start3A_95 = arith.constant 0 : i32
          %dma_start3A_96 = arith.constant 0 : i32
          %dma_start3A_97 = tpu.memref_slice %arg12[%dma_start3A_95, %dma_start3A_96] : memref<10000x128xf32, #tpu.memory_space<vmem_shared>> -> memref<10000x128xf32, #tpu.memory_space<vmem_shared>>
          tpu.enqueue_indirect_dma source(%arg11 : memref<128x128xf32, #tpu.memory_space<vmem>>) target(%dma_start3A_97 : memref<10000x128xf32, #tpu.memory_space<vmem_shared>>) offsets(%dma_start3A_94 : memref<128xi32, #tpu.memory_space<vmem>>) semaphore(%run_scoped3A : memref<!tpu.dma_semaphore, #tpu.memory_space<semaphore_mem>>) {add = true}
          %dma_wait3A_98 = arith.constant 0 : i32
          %dma_wait3A_99 = tpu.memref_slice %arg8[%add3A_88, %dma_wait3A_98] : memref<40x128xi32, #tpu.memory_space<vmem>> -> memref<1x128xi32, #tpu.memory_space<vmem>>
          %dma_wait3A_100 = tpu.memref_squeeze %dma_wait3A_99 : memref<1x128xi32, #tpu.memory_space<vmem>> -> memref<128xi32, #tpu.memory_space<vmem>>
          %dma_wait3A_101 = arith.constant 0 : i32
          %dma_wait3A_102 = arith.constant 0 : i32
          %dma_wait3A_103 = tpu.memref_slice %arg12[%dma_wait3A_101, %dma_wait3A_102] : memref<10000x128xf32, #tpu.memory_space<vmem_shared>> -> memref<10000x128xf32, #tpu.memory_space<vmem_shared>>
          tpu.wait_indirect_dma semaphore(%run_scoped3A : memref<!tpu.dma_semaphore, #tpu.memory_space<semaphore_mem>>) src(%arg11 : memref<128x128xf32, #tpu.memory_space<vmem>>) dst(%dma_wait3A_103 : memref<10000x128xf32, #tpu.memory_space<vmem_shared>>)
          tpu.yield
        }) : () -> ()
      }
      %scan3A_54 = arith.constant 20 : i32
    }
    %scan3A_27 = arith.constant 2 : i32
    %barrier3A_28 = arith.constant 0 : index
    tpu.barrier barrier_id(%barrier3A_28)
    %mul3A_29 = arith.constant 10000 : i32
    %mul3A_30 = arith.muli %arg0, %mul3A_29 : i32
    %add3A_31 = arith.addi %mul3A_30, %mul3A_4 : i32
    "tpu.region"() ({
      %run_scoped3A = tpu.sem_alloc : memref<!tpu.dma_semaphore, #tpu.memory_space<semaphore_mem>>
      %dma_start3A = arith.constant 0 : i32
      %dma_start3A_37 = tpu.memref_slice %arg6[%add3A_31, %dma_start3A] : memref<20000x128xf32, #tpu.memory_space<hbm>> -> memref<624x128xf32, #tpu.memory_space<hbm>>
      %dma_start3A_38 = arith.constant 0 : i32
      %dma_start3A_39 = tpu.memref_slice %arg12[%mul3A_4, %dma_start3A_38] : memref<10000x128xf32, #tpu.memory_space<vmem_shared>> -> memref<624x128xf32, #tpu.memory_space<vmem_shared>>
      tpu.enqueue_dma source(%dma_start3A_39 : memref<624x128xf32, #tpu.memory_space<vmem_shared>>) target(%dma_start3A_37 : memref<624x128xf32, #tpu.memory_space<hbm>>) target_semaphore(%run_scoped3A : memref<!tpu.dma_semaphore, #tpu.memory_space<semaphore_mem>>)
      %dma_wait3A = arith.constant 0 : i32
      %dma_wait3A_40 = tpu.memref_slice %arg6[%add3A_31, %dma_wait3A] : memref<20000x128xf32, #tpu.memory_space<hbm>> -> memref<624x128xf32, #tpu.memory_space<hbm>>
      %dma_wait3A_41 = arith.constant 0 : i32
      %dma_wait3A_42 = tpu.memref_slice %arg12[%mul3A_4, %dma_wait3A_41] : memref<10000x128xf32, #tpu.memory_space<vmem_shared>> -> memref<624x128xf32, #tpu.memory_space<vmem_shared>>
      tpu.wait_dma2 semaphore(%run_scoped3A : memref<!tpu.dma_semaphore, #tpu.memory_space<semaphore_mem>>) src(%dma_wait3A_42 : memref<624x128xf32, #tpu.memory_space<vmem_shared>>) dst(%dma_wait3A_40 : memref<624x128xf32, #tpu.memory_space<hbm>>)
      tpu.yield
    }) : () -> ()
    %eq3A_32 = arith.constant 15 : i32
    %eq3A_33 = arith.cmpi eq, %arg1, %eq3A_32 : i32
    %convert_element_type3A_34 = arith.extui %eq3A_33 : i1 to i32
    %cond3A_35 = arith.constant 0 : i32
    %cond3A_36 = arith.cmpi ne, %convert_element_type3A_34, %cond3A_35 : i32
    scf.if %cond3A_36 {
      %mul3A_37 = arith.constant 10000 : i32
      %mul3A_38 = arith.muli %arg0, %mul3A_37 : i32
      %add3A_39 = arith.constant 9984 : i32
      %add3A_40 = arith.addi %mul3A_38, %add3A_39 : i32
      "tpu.region"() ({
        %run_scoped3A = tpu.sem_alloc : memref<!tpu.dma_semaphore, #tpu.memory_space<semaphore_mem>>
        %dma_start3A = arith.constant 0 : i32
        %dma_start3A_41 = tpu.memref_slice %arg6[%add3A_40, %dma_start3A] : memref<20000x128xf32, #tpu.memory_space<hbm>> -> memref<16x128xf32, #tpu.memory_space<hbm>>
        %dma_start3A_42 = arith.constant 9984 : i32
        %dma_start3A_43 = arith.constant 0 : i32
        %dma_start3A_44 = tpu.memref_slice %arg12[%dma_start3A_42, %dma_start3A_43] : memref<10000x128xf32, #tpu.memory_space<vmem_shared>> -> memref<16x128xf32, #tpu.memory_space<vmem_shared>>
        tpu.enqueue_dma source(%dma_start3A_44 : memref<16x128xf32, #tpu.memory_space<vmem_shared>>) target(%dma_start3A_41 : memref<16x128xf32, #tpu.memory_space<hbm>>) target_semaphore(%run_scoped3A : memref<!tpu.dma_semaphore, #tpu.memory_space<semaphore_mem>>)
        %dma_wait3A = arith.constant 0 : i32
        %dma_wait3A_45 = tpu.memref_slice %arg6[%add3A_40, %dma_wait3A] : memref<20000x128xf32, #tpu.memory_space<hbm>> -> memref<16x128xf32, #tpu.memory_space<hbm>>
        %dma_wait3A_46 = arith.constant 9984 : i32
        %dma_wait3A_47 = arith.constant 0 : i32
        %dma_wait3A_48 = tpu.memref_slice %arg12[%dma_wait3A_46, %dma_wait3A_47] : memref<10000x128xf32, #tpu.memory_space<vmem_shared>> -> memref<16x128xf32, #tpu.memory_space<vmem_shared>>
        tpu.wait_dma2 semaphore(%run_scoped3A : memref<!tpu.dma_semaphore, #tpu.memory_space<semaphore_mem>>) src(%dma_wait3A_48 : memref<16x128xf32, #tpu.memory_space<vmem_shared>>) dst(%dma_wait3A_45 : memref<16x128xf32, #tpu.memory_space<hbm>>)
        tpu.yield
      }) : () -> ()
    } else {
    }
    return
  }
}

module attributes {stable_mosaic.version = 14 : i64} {
  func.func @_tc_head_body(%arg0: i32, %arg1: memref<2x1000x128xf32, #tpu.memory_space<vmem>>, %arg2: memref<128x128xf32, #tpu.memory_space<vmem>>, %arg3: memref<1x128xf32, #tpu.memory_space<vmem>>, %arg4: memref<1x128xf32, #tpu.memory_space<vmem>>, %arg5: memref<1000x128xf32, #tpu.memory_space<vmem>>, %arg6: memref<8x128xf32, #tpu.memory_space<vmem>>) attributes {dimension_semantics = [#tpu.dimension_semantics<arbitrary>], iteration_bounds = array<i64: 10>, scalar_prefetch = 0 : i64, scratch_operands = 0 : i64, tpu.core_type = #tpu.core_type<tc>, window_params = [{transform_indices = @transform_0, window_bounds = array<i64: 2, 1000, 128>}, {pipeline_mode = #tpu.pipeline_mode<synchronous>, transform_indices = @transform_1, window_bounds = array<i64: 128, 128>}, {pipeline_mode = #tpu.pipeline_mode<synchronous>, transform_indices = @transform_2, window_bounds = array<i64: 1, 128>}, {pipeline_mode = #tpu.pipeline_mode<synchronous>, transform_indices = @transform_3, window_bounds = array<i64: 1, 128>}, {transform_indices = @transform_4, window_bounds = array<i64: 1000, 128>}, {pipeline_mode = #tpu.pipeline_mode<synchronous>, transform_indices = @transform_5, window_bounds = array<i64: 8, 128>}]} {
    %get3A = arith.constant 0 : index
    %get3A_0 = arith.constant 0 : index
    %get3A_1 = arith.constant 0 : index
    %get3A_2 = vector.load %arg1[%get3A, %get3A_0, %get3A_1] : memref<2x1000x128xf32, #tpu.memory_space<vmem>>, vector<1x1000x128xf32>
    %get3A_3 = vector.shape_cast %get3A_2 : vector<1x1000x128xf32> to vector<1000x128xf32>
    %get3A_4 = arith.constant 1 : index
    %get3A_5 = arith.constant 0 : index
    %get3A_6 = arith.constant 0 : index
    %get3A_7 = vector.load %arg1[%get3A_4, %get3A_5, %get3A_6] : memref<2x1000x128xf32, #tpu.memory_space<vmem>>, vector<1x1000x128xf32>
    %get3A_8 = vector.shape_cast %get3A_7 : vector<1x1000x128xf32> to vector<1000x128xf32>
    %add3A = arith.addf %get3A_3, %get3A_8 : vector<1000x128xf32>
    %get3A_9 = arith.constant 0 : index
    %get3A_10 = arith.constant 0 : index
    %get3A_11 = vector.load %arg2[%get3A_9, %get3A_10] : memref<128x128xf32, #tpu.memory_space<vmem>>, vector<128x128xf32>
    %dot_general3A = arith.constant dense<0.000000e+00> : vector<1000x128xf32>
    %dot_general3A_12 = tpu.matmul %add3A, %get3A_11, %dot_general3A {dimension_numbers = #tpu.dot_dimension_numbers<[1], [0], [0], [1], [0, 0, 1, 1], [], []>, transpose_lhs_hint = false} : vector<1000x128xf32>, vector<128x128xf32>, vector<1000x128xf32> -> vector<1000x128xf32>
    %get3A_13 = arith.constant 0 : index
    %get3A_14 = arith.constant 0 : index
    %get3A_15 = vector.load %arg3[%get3A_13, %get3A_14] : memref<1x128xf32, #tpu.memory_space<vmem>>, vector<1x128xf32>
    %add3A_16 = vector.broadcast %get3A_15 : vector<1x128xf32> to vector<1000x128xf32>
    %add3A_17 = arith.addf %dot_general3A_12, %add3A_16 : vector<1000x128xf32>
    %ge3A = arith.constant 0.000000e+00 : f32
    %ge3A_18 = vector.broadcast %ge3A : f32 to vector<1000x128xf32>
    %ge3A_19 = arith.cmpf oge, %add3A_17, %ge3A_18 : vector<1000x128xf32>
    %get3A_20 = arith.constant 0 : index
    %get3A_21 = arith.constant 0 : index
    %get3A_22 = vector.load %arg4[%get3A_20, %get3A_21] : memref<1x128xf32, #tpu.memory_space<vmem>>, vector<1x128xf32>
    %mul3A = vector.broadcast %get3A_22 : vector<1x128xf32> to vector<1000x128xf32>
    %mul3A_23 = arith.mulf %add3A_17, %mul3A : vector<1000x128xf32>
    %select_n3A = arith.select %ge3A_19, %add3A_17, %mul3A_23 : vector<1000x128xi1>, vector<1000x128xf32>
    %swap3A = arith.constant 0 : index
    %swap3A_24 = arith.constant 0 : index
    %swap3A_25 = vector.load %arg5[%swap3A, %swap3A_24] : memref<1000x128xf32, #tpu.memory_space<vmem>>, vector<1000x128xf32>
    tpu.vector_store %arg5[%swap3A, %swap3A_24], %select_n3A {strides = array<i32>} : memref<1000x128xf32, #tpu.memory_space<vmem>>, vector<1000x128xf32>,
    %eq3A = arith.constant 0 : i32
    %eq3A_26 = arith.cmpi eq, %arg0, %eq3A : i32
    %convert_element_type3A = arith.extui %eq3A_26 : i1 to i32
    %cond3A = arith.constant 0 : i32
    %cond3A_27 = arith.cmpi ne, %convert_element_type3A, %cond3A : i32
    scf.if %cond3A_27 {
      %broadcast_in_dim3A_47 = arith.constant 0.000000e+00 : f32
      %broadcast_in_dim3A_48 = vector.broadcast %broadcast_in_dim3A_47 : f32 to vector<8x128xf32>
      %swap3A_49 = arith.constant 0 : index
      %swap3A_50 = arith.constant 0 : index
      %swap3A_51 = vector.load %arg6[%swap3A_49, %swap3A_50] : memref<8x128xf32, #tpu.memory_space<vmem>>, vector<8x128xf32>
      tpu.vector_store %arg6[%swap3A_49, %swap3A_50], %broadcast_in_dim3A_48 {strides = array<i32>} : memref<8x128xf32, #tpu.memory_space<vmem>>, vector<8x128xf32>,
    } else {
    }
    %get3A_28 = arith.constant 0 : index
    %get3A_29 = arith.constant 0 : index
    %get3A_30 = vector.load %arg6[%get3A_28, %get3A_29] : memref<8x128xf32, #tpu.memory_space<vmem>>, vector<1x128xf32>
    %reduce_sum3A = arith.constant dense<0.000000e+00> : vector<128xf32>
    %reduce_sum3A_31 = vector.multi_reduction <add>, %select_n3A, %reduce_sum3A [0] : vector<1000x128xf32> to vector<128xf32>
    %broadcast_in_dim3A = vector.shape_cast %reduce_sum3A_31 : vector<128xf32> to vector<1x128xf32>
    %add3A_32 = arith.addf %get3A_30, %broadcast_in_dim3A : vector<1x128xf32>
    %swap3A_33 = arith.constant 0 : index
    %swap3A_34 = arith.constant 0 : index
    %swap3A_35 = vector.load %arg6[%swap3A_33, %swap3A_34] : memref<8x128xf32, #tpu.memory_space<vmem>>, vector<1x128xf32>
    tpu.vector_store %arg6[%swap3A_33, %swap3A_34], %add3A_32 {strides = array<i32>} : memref<8x128xf32, #tpu.memory_space<vmem>>, vector<1x128xf32>,
    %get3A_36 = arith.constant 1 : index
    %get3A_37 = arith.constant 0 : index
    %get3A_38 = vector.load %arg6[%get3A_36, %get3A_37] : memref<8x128xf32, #tpu.memory_space<vmem>>, vector<1x128xf32>
    %mul3A_39 = arith.mulf %select_n3A, %select_n3A : vector<1000x128xf32>
    %reduce_sum3A_40 = arith.constant dense<0.000000e+00> : vector<128xf32>
    %reduce_sum3A_41 = vector.multi_reduction <add>, %mul3A_39, %reduce_sum3A_40 [0] : vector<1000x128xf32> to vector<128xf32>
    %broadcast_in_dim3A_42 = vector.shape_cast %reduce_sum3A_41 : vector<128xf32> to vector<1x128xf32>
    %add3A_43 = arith.addf %get3A_38, %broadcast_in_dim3A_42 : vector<1x128xf32>
    %swap3A_44 = arith.constant 1 : index
    %swap3A_45 = arith.constant 0 : index
    %swap3A_46 = vector.load %arg6[%swap3A_44, %swap3A_45] : memref<8x128xf32, #tpu.memory_space<vmem>>, vector<1x128xf32>
    tpu.vector_store %arg6[%swap3A_44, %swap3A_45], %add3A_43 {strides = array<i32>} : memref<8x128xf32, #tpu.memory_space<vmem>>, vector<1x128xf32>,
    return
  }
  func.func @transform_0(%arg0: i32) -> (i32, i32, i32) {
    %c0_i32 = arith.constant 0 : i32
    %c0_i32_0 = arith.constant 0 : i32
    %c0_i32_1 = arith.constant 0 : i32
    return %c0_i32, %arg0, %c0_i32_0 : i32, i32, i32
  }
  func.func @transform_1(%arg0: i32) -> (i32, i32) {
    %c0_i32 = arith.constant 0 : i32
    %c0_i32_0 = arith.constant 0 : i32
    %c0_i32_1 = arith.constant 0 : i32
    return %c0_i32, %c0_i32_0 : i32, i32
  }
  func.func @transform_2(%arg0: i32) -> (i32, i32) {
    %c0_i32 = arith.constant 0 : i32
    %c0_i32_0 = arith.constant 0 : i32
    %c0_i32_1 = arith.constant 0 : i32
    return %c0_i32, %c0_i32_0 : i32, i32
  }
  func.func @transform_3(%arg0: i32) -> (i32, i32) {
    %c0_i32 = arith.constant 0 : i32
    %c0_i32_0 = arith.constant 0 : i32
    %c0_i32_1 = arith.constant 0 : i32
    return %c0_i32, %c0_i32_0 : i32, i32
  }
  func.func @transform_4(%arg0: i32) -> (i32, i32) {
    %c0_i32 = arith.constant 0 : i32
    %c0_i32_0 = arith.constant 0 : i32
    return %arg0, %c0_i32 : i32, i32
  }
  func.func @transform_5(%arg0: i32) -> (i32, i32) {
    %c0_i32 = arith.constant 0 : i32
    %c0_i32_0 = arith.constant 0 : i32
    %c0_i32_1 = arith.constant 0 : i32
    return %c0_i32, %c0_i32_0 : i32, i32
  }
}

module attributes {stable_mosaic.version = 14 : i64} {
  func.func @_tc_tail_body(%arg0: i32, %arg1: memref<1000x128xf32, #tpu.memory_space<vmem>>, %arg2: memref<8x128xf32, #tpu.memory_space<vmem>>, %arg3: memref<1x128xf32, #tpu.memory_space<vmem>>, %arg4: memref<1x128xf32, #tpu.memory_space<vmem>>, %arg5: memref<1x128xf32, #tpu.memory_space<vmem>>, %arg6: memref<1000x128xf32, #tpu.memory_space<vmem>>) attributes {dimension_semantics = [#tpu.dimension_semantics<arbitrary>], iteration_bounds = array<i64: 10>, scalar_prefetch = 0 : i64, scratch_operands = 0 : i64, tpu.core_type = #tpu.core_type<tc>, window_params = [{transform_indices = @transform_0, window_bounds = array<i64: 1000, 128>}, {pipeline_mode = #tpu.pipeline_mode<synchronous>, transform_indices = @transform_1, window_bounds = array<i64: 8, 128>}, {pipeline_mode = #tpu.pipeline_mode<synchronous>, transform_indices = @transform_2, window_bounds = array<i64: 1, 128>}, {pipeline_mode = #tpu.pipeline_mode<synchronous>, transform_indices = @transform_3, window_bounds = array<i64: 1, 128>}, {pipeline_mode = #tpu.pipeline_mode<synchronous>, transform_indices = @transform_4, window_bounds = array<i64: 1, 128>}, {transform_indices = @transform_5, window_bounds = array<i64: 1000, 128>}]} {
    %get3A = arith.constant 0 : index
    %get3A_0 = arith.constant 0 : index
    %get3A_1 = vector.load %arg2[%get3A, %get3A_0] : memref<8x128xf32, #tpu.memory_space<vmem>>, vector<1x128xf32>
    %mul3A = arith.constant 9.99999974E-5 : f32
    %mul3A_2 = vector.broadcast %mul3A : f32 to vector<1x128xf32>
    %mul3A_3 = arith.mulf %get3A_1, %mul3A_2 : vector<1x128xf32>
    %get3A_4 = arith.constant 1 : index
    %get3A_5 = arith.constant 0 : index
    %get3A_6 = vector.load %arg2[%get3A_4, %get3A_5] : memref<8x128xf32, #tpu.memory_space<vmem>>, vector<1x128xf32>
    %mul3A_7 = arith.constant 9.99999974E-5 : f32
    %mul3A_8 = vector.broadcast %mul3A_7 : f32 to vector<1x128xf32>
    %mul3A_9 = arith.mulf %get3A_6, %mul3A_8 : vector<1x128xf32>
    %mul3A_10 = arith.mulf %mul3A_3, %mul3A_3 : vector<1x128xf32>
    %sub3A = arith.subf %mul3A_9, %mul3A_10 : vector<1x128xf32>
    %add3A = arith.constant 9.99999974E-6 : f32
    %add3A_11 = vector.broadcast %add3A : f32 to vector<1x128xf32>
    %add3A_12 = arith.addf %sub3A, %add3A_11 : vector<1x128xf32>
    %rsqrt3A = math.rsqrt %add3A_12 : vector<1x128xf32>
    %get3A_13 = arith.constant 0 : index
    %get3A_14 = arith.constant 0 : index
    %get3A_15 = vector.load %arg1[%get3A_13, %get3A_14] : memref<1000x128xf32, #tpu.memory_space<vmem>>, vector<1000x128xf32>
    %sub3A_16 = vector.broadcast %mul3A_3 : vector<1x128xf32> to vector<1000x128xf32>
    %sub3A_17 = arith.subf %get3A_15, %sub3A_16 : vector<1000x128xf32>
    %get3A_18 = arith.constant 0 : index
    %get3A_19 = arith.constant 0 : index
    %get3A_20 = vector.load %arg3[%get3A_18, %get3A_19] : memref<1x128xf32, #tpu.memory_space<vmem>>, vector<1x128xf32>
    %mul3A_21 = arith.mulf %rsqrt3A, %get3A_20 : vector<1x128xf32>
    %mul3A_22 = vector.broadcast %mul3A_21 : vector<1x128xf32> to vector<1000x128xf32>
    %mul3A_23 = arith.mulf %sub3A_17, %mul3A_22 : vector<1000x128xf32>
    %get3A_24 = arith.constant 0 : index
    %get3A_25 = arith.constant 0 : index
    %get3A_26 = vector.load %arg4[%get3A_24, %get3A_25] : memref<1x128xf32, #tpu.memory_space<vmem>>, vector<1x128xf32>
    %add3A_27 = vector.broadcast %get3A_26 : vector<1x128xf32> to vector<1000x128xf32>
    %add3A_28 = arith.addf %mul3A_23, %add3A_27 : vector<1000x128xf32>
    %ge3A = arith.constant 0.000000e+00 : f32
    %ge3A_29 = vector.broadcast %ge3A : f32 to vector<1000x128xf32>
    %ge3A_30 = arith.cmpf oge, %add3A_28, %ge3A_29 : vector<1000x128xf32>
    %get3A_31 = arith.constant 0 : index
    %get3A_32 = arith.constant 0 : index
    %get3A_33 = vector.load %arg5[%get3A_31, %get3A_32] : memref<1x128xf32, #tpu.memory_space<vmem>>, vector<1x128xf32>
    %mul3A_34 = vector.broadcast %get3A_33 : vector<1x128xf32> to vector<1000x128xf32>
    %mul3A_35 = arith.mulf %add3A_28, %mul3A_34 : vector<1000x128xf32>
    %select_n3A = arith.select %ge3A_30, %add3A_28, %mul3A_35 : vector<1000x128xi1>, vector<1000x128xf32>
    %swap3A = arith.constant 0 : index
    %swap3A_36 = arith.constant 0 : index
    %swap3A_37 = vector.load %arg6[%swap3A, %swap3A_36] : memref<1000x128xf32, #tpu.memory_space<vmem>>, vector<1000x128xf32>
    tpu.vector_store %arg6[%swap3A, %swap3A_36], %select_n3A {strides = array<i32>} : memref<1000x128xf32, #tpu.memory_space<vmem>>, vector<1000x128xf32>,
    return
  }
  func.func @transform_0(%arg0: i32) -> (i32, i32) {
    %c0_i32 = arith.constant 0 : i32
    %c0_i32_0 = arith.constant 0 : i32
    return %arg0, %c0_i32 : i32, i32
  }
  func.func @transform_1(%arg0: i32) -> (i32, i32) {
    %c0_i32 = arith.constant 0 : i32
    %c0_i32_0 = arith.constant 0 : i32
    %c0_i32_1 = arith.constant 0 : i32
    return %c0_i32, %c0_i32_0 : i32, i32
  }
  func.func @transform_2(%arg0: i32) -> (i32, i32) {
    %c0_i32 = arith.constant 0 : i32
    %c0_i32_0 = arith.constant 0 : i32
    %c0_i32_1 = arith.constant 0 : i32
    return %c0_i32, %c0_i32_0 : i32, i32
  }
  func.func @transform_3(%arg0: i32) -> (i32, i32) {
    %c0_i32 = arith.constant 0 : i32
    %c0_i32_0 = arith.constant 0 : i32
    %c0_i32_1 = arith.constant 0 : i32
    return %c0_i32, %c0_i32_0 : i32, i32
  }
  func.func @transform_4(%arg0: i32) -> (i32, i32) {
    %c0_i32 = arith.constant 0 : i32
    %c0_i32_0 = arith.constant 0 : i32
    %c0_i32_1 = arith.constant 0 : i32
    return %c0_i32, %c0_i32_0 : i32, i32
  }
  func.func @transform_5(%arg0: i32) -> (i32, i32) {
    %c0_i32 = arith.constant 0 : i32
    %c0_i32_0 = arith.constant 0 : i32
    return %arg0, %c0_i32 : i32, i32
  }
}

</mosaic_0001>

<sc_bundles>
// kernel: kernel.5.cloned.1.call-start
scs
__scs_entry_jumppad:
0x0: {  	(pc) =	sbr.rel $0x88, $3  }
0x1: {  	(tag) =	ssettag $0x0;
	lr =	simm.s32 $0x1  }
0x2: {  	[smem:$0x3F98] =	sst lr;
	_ =	strace $0xD0000000  }
0x3: {  	_ = 	snop  }
0x4: {  	_ = 	snop  }
0x5: {  	_ = 	snop  }
0x6: {  	_ = 	snop  }
0x7: {  	_ = 	snop  }
__scs_overlays_trampoline_lowered:
0x8: {  	[smem:$0x3FA7] =	sst s0  }
0x9: {  	[smem:$0x3FA8] =	sst s1  }
0xa: {  	[smem:$0x3FA9] =	sst s2  }
0xb: {  	[smem:$0x3FAA] =	sst s3  }
0xc: {  	[smem:$0x3FAB] =	sst s4  }
0xd: {  	[smem:$0x3FAC] =	sst s5  }
0xe: {  	[smem:$0x3FAD] =	sst s6  }
0xf: {  	[smem:$0x3FAE] =	sst s7  }
0x10: {  	[smem:$0x3FAF] =	sst s8  }
0x11: {  	[smem:$0x3FB0] =	sst s9;
	s0 =	simm.s32 @!p0 $0x0  }
0x12: {  	s1 =	sld [smem:$0x3F96];
	s0 =	simm.s32 @p0 $0x1  }
0x13: {  	[smem:$0x3FB1] =	sst s0;
	s0 =	simm.s32 @!p1 $0x0  }
0x14: {  	s2 =	sld [smem:$0x3F95];
	s0 =	simm.s32 @p1 $0x1  }
0x15: {  	[smem:$0x3FB2] =	sst s0;
	s0 =	simm.s32 @!p2 $0x0  }
0x16: {  	s3 =	sld [smem:$0x3FDB];
	s0 =	simm.s32 @p2 $0x1  }
0x17: {  	s4 =	simm.s32 $0x1BF5;
	[smem:$0x3FB4] =	sst s0  }
0x18: {  	s0 =	sld [smem:$0x3F97];
	_ =	swait.ge [sflag:s4], $0x0  }
0x19: {  	s7 =	sld [smem:$0x3F98]  }
0x1a: {  	s8 =	sadd.s32 $0xFFFFE003, lr  }
0x1b: {  	s9 =	sadd.s32 $0xFFFFFEF7, lr;
	s5 =	simm.s32 $0xFFFFFFFF;
	p2 =	slt.u32 s8, $0xFFFFF086  }
0x1c: {  	p1 =	slt.u32 s9, $0xF7A;
	s5 =	simm.s32 @!p2 $0x0  }
0x1d: {  	s5 =	simm.s32 @p1 $0x1;
	p0 =	seq.s32 s7, s2  }
0x1e: {  	s7 =	smul.u32 @!p0 $0xF7A, s2;
	p2 =	seq.s32 @!p0 s5, $0x0  }
0x1f: {  	s9 =	smul.u32 $0xF7A, s1;
	s8 =	simm.s32 @!p0 $0x1BF5;
	p2 =	por !p2, p0  }
0x20: {  	[sflag:s8] =	ssyncset.s32 @!p0 $0xFFFFF086;
	s6 =	sadd.s32 @!p0 s3, s7;
	s7 =	simm.s32 @!p0 $0x108  }
0x21: {  	s3 =	sadd.s32 s3, s9;
	s6 =	sadd.s32 @!p0 $0x88, s6;
	s7 =	simm.s32 @p2 $0x1082  }
0x22: {  	[simem:s7], [sflag:s8] =	dma.local @!p0 [hbm:s6], $0xF7A  }
0x23: {  	s9 =	sor.u32 $0xD0000000, s2;
	s6 =	simm.s32 $0x108;
	_ =	swait.ge @!p0 [sflag:s8], $0x0  }
0x24: {  	s3 =	sadd.s32 $0x88, s3;
	s6 =	simm.s32 @!p1 $0x1082;
	[sflag:s4] =	ssyncset.s32 $0xFFFFF086  }
0x25: {  	[simem:s6], [sflag:s4] =	dma.local [hbm:s3], $0xF7A  }
0x26: {  	[smem:$0x3F98] =	sst s1;
	(tag) =	ssettag s2;
	_ =	strace s9  }
0x27: {  	s1 =	sld [smem:$0x3FA8]  }
0x28: {  	s2 =	sld [smem:$0x3FA9]  }
0x29: {  	s4 =	sld [smem:$0x3FAB]  }
0x2a: {  	p0 =	seq.s32 s5, $0x0;
	s5 =	sld [smem:$0x3FAC]  }
0x2b: {  	s6 =	sld [smem:$0x3FAD]  }
0x2c: {  	s7 =	sld [smem:$0x3FAE]  }
0x2d: {  	s3 =	simm.s32 $0x108;
	s8 =	sld [smem:$0x3FAF]  }
0x2e: {  	s3 =	simm.s32 @!p0 $0x1082;
	s9 =	sld [smem:$0x3FB0]  }
0x2f: {  	lr =	sadd.s32 s0, s3;
	s0 =	sld [smem:$0x3FA7]  }
0x30: {  	s3 =	sld [smem:$0x3FAA]  }
0x31: {  	[smem:$0x3FB3] =	sst s10  }
0x32: {  	s10 =	sld [smem:$0x3FB1];
	_ =	sdelay $0x3  }
0x33: {  	p0 =	seq.s32 s10, $0x1;
	s10 =	sld [smem:$0x3FB3];
	_ =	sdelay $0x3  }
0x34: {  	[smem:$0x3FB3] =	sst s10  }
0x35: {  	s10 =	sld [smem:$0x3FB2];
	_ =	sdelay $0x3  }
0x36: {  	p1 =	seq.s32 s10, $0x1;
	s10 =	sld [smem:$0x3FB3];
	_ =	sdelay $0x3  }
0x37: {  	[smem:$0x3FB3] =	sst s10  }
0x38: {  	s10 =	sld [smem:$0x3FB4]  }
0x39: {  	_ = 	snop;
	(pc) =	sbr.ind lr, $3  }
0x3a: {  	_ = 	snop  }
0x3b: {  	_ = 	snop  }
0x3c: {  	p2 =	seq.s32 s10, $0x1;
	s10 =	sld [smem:$0x3FB3]  }
0x3d: {  	_ =	shalt  }
0x3e: {  	_ =	shalt  }
0x3f: {  	_ =	shalt  }
0x40: {  	_ =	shalt  }
0x41: {  	_ =	shalt  }
0x42: {  	_ =	shalt  }
0x43: {  	_ =	shalt  }
0x44: {  	_ =	shalt  }
0x45: {  	_ =	shalt  }
0x46: {  	_ =	shalt  }
0x47: {  	_ =	shalt  }
0x48: {  	_ =	shalt  }
0x49: {  	_ =	shalt  }
0x4a: {  	_ =	shalt  }
0x4b: {  	_ =	shalt  }
0x4c: {  	_ =	shalt  }
0x4d: {  	_ =	shalt  }
0x4e: {  	_ =	shalt  }
0x4f: {  	_ =	shalt  }
0x50: {  	_ =	shalt  }
0x51: {  	_ =	shalt  }
0x52: {  	_ =	shalt  }
0x53: {  	_ =	shalt  }
0x54: {  	_ =	shalt  }
0x55: {  	_ =	shalt  }
0x56: {  	_ =	shalt  }
0x57: {  	_ =	shalt  }
0x58: {  	_ =	shalt  }
0x59: {  	_ =	shalt  }
0x5a: {  	_ =	shalt  }
0x5b: {  	_ =	shalt  }
0x5c: {  	_ =	shalt  }
0x5d: {  	_ =	shalt  }
0x5e: {  	_ =	shalt  }
0x5f: {  	_ =	shalt  }
0x60: {  	_ =	shalt  }
0x61: {  	_ =	shalt  }
0x62: {  	_ =	shalt  }
0x63: {  	_ =	shalt  }
0x64: {  	_ =	shalt  }
0x65: {  	_ =	shalt  }
0x66: {  	_ =	shalt  }
0x67: {  	_ =	shalt  }
0x68: {  	_ =	shalt  }
0x69: {  	_ =	shalt  }
0x6a: {  	_ =	shalt  }
0x6b: {  	_ =	shalt  }
0x6c: {  	_ =	shalt  }
0x6d: {  	_ =	shalt  }
0x6e: {  	_ =	shalt  }
0x6f: {  	_ =	shalt  }
0x70: {  	_ =	shalt  }
0x71: {  	_ =	shalt  }
0x72: {  	_ =	shalt  }
0x73: {  	_ =	shalt  }
0x74: {  	_ =	shalt  }
0x75: {  	_ =	shalt  }
0x76: {  	_ =	shalt  }
0x77: {  	_ =	shalt  }
0x78: {  	_ =	shalt  }
0x79: {  	_ =	shalt  }
0x7a: {  	_ =	shalt  }
0x7b: {  	_ =	shalt  }
0x7c: {  	_ =	shalt  }
0x7d: {  	_ =	shalt  }
0x7e: {  	_ =	shalt  }
0x7f: {  	_ =	shalt  }
0x80: {  	_ =	shalt  }
0x81: {  	_ =	shalt  }
0x82: {  	_ =	shalt  }
0x83: {  	_ =	shalt  }
0x84: {  	_ =	shalt  }
0x85: {  	_ =	shalt  }
0x86: {  	_ =	shalt  }
0x87: {  	_ =	shalt  }
.Lfunc_end0:
.L_simem_size_0:
called_computation_lowered:
.L_overlay_start_0:
0x88: {  	s2 =	sld [smem:$0x3FD9]  }
0x89: {  	s3 =	sld [smem:$0x3FFE];
	_ =	sdelay $0x1  }
0x8a: {  	s1 =	srdreg.scid  }
0x8b: {  	s0 =	sand.u32 $0x1, s1  }
0x8c: {  	s17 =	sshll.u32 s0, $0xA;
	s2 =	sadd.s32 s3, s2  }
0x8d: {  	s2 =	sadd.s32 s2, s17  }
0x8e: {  	[smem:$0x3FBF] =	sst s2  }
0x8f: {  	_ = 	snop  }
0x90: {  	s2 =	sld [smem:$0x3FC9]  }
0x91: {  	s18 =	sld [smem:$0x3FD0];
	(tm) =	ssettm $0x1  }
0x92: {  	s4 =	sld [smem:$0x3FFB];
	_ =	sdelay $0x3  }
0x93: {  	_ =	strace s4  }
0x94: {  	s4 =	sld [smem:$0x3FFC];
	_ =	sdelay $0x3  }
0x95: {  	_ =	strace s4  }
0x96: {  	s4 =	sld [smem:$0x3FFD];
	_ =	sdelay $0x3  }
0x97: {  	_ =	strace s4  }
0x98: {  	_ =	strace $0x8FFFFFFF  }
0x99: {  	s19 =	sld [smem:$0x3FDB];
	_ =	sdelay $0x1  }
0x9a: {  	s5 =	simm.s32 $_scs_section_size  }
0x9b: {  	s6 =	simm.s32 $_size__tile_overlayer_lowered;
	s7 =	simm.s32 $_tile_overlayer_lowered  }
0x9c: {  	s22 =	simm.s32 $0x1BFF;
	s21 =	sshll.u32 s7, $0x1;
	s4 =	sadd.s32 s5, s19  }
0x9d: {  	s8 =	simm.s32 $0x0;
	s20 =	sshll.u32 s6, $0x1;
	s6 =	sadd.s32 s21, s4  }
0x9e: {  	[timem:s8], [sflag:s22] =	dma.local [hbm:s6], s20  }
0x9f: {  	_ =	swait.ge [sflag:s22], s20  }
0xa0: {  	s5 =	ssub.s32 $0x0, s20;
	[sflag:s22] =	ssyncset.done $0x0  }
0xa1: {  	[sflag:s22] =	ssyncadd.s32 s5;
	_ =	sdelay $0x1  }
0xa2: {  	s23 =	simm.s32 $0x1B8B  }
0xa3: {  	_ =	swait.ge [sflag:s23], $0x1  }
0xa4: {  	[sflag:s23] =	ssyncset.done $0x0  }
0xa5: {  	s25 =	simm.s32 $0x1B8E;
	s24 =	sld [smem:$0x3FFE];
	[sflag:s23] =	ssyncadd.s32 $0xFFFFFFFF  }
0xa6: {  	s26 =	simm.s32 $execute0_lowered;
	[smem:$0x3FD2] =	sst s25  }
0xa7: {  	s6 =	sshll.u32 s26, $0x1;
	_ =	strace $0x80000046;
	[dreg:$0x1] =	wrdreg $0xFFFFFFFF  }
0xa8: {  	s28 =	simm.s32 $_size_execute0_lowered;
	s4 =	sadd.s32 s4, s6;
	[dreg:$0x0] =	wrdreg $0x0  }
0xa9: {  	s6 =	sshll.u32 s28, $0x1;
	[dreg:$0x2] =	wrdreg s4  }
0xaa: {  	[dreg:$0x3] =	wrdreg s6  }
0xab: {  	[dreg:$0x4] =	wrdreg $0xC0  }
0xac: {  	_ =	task [dreg:s8], $0x5FFFF  }
0xad: {  	[dreg:$0x1] =	wrdreg $0xFFFFFFFF  }
0xae: {  	[dreg:$0x0] =	wrdreg $0x60  }
0xaf: {  	[dreg:$0x2] =	wrdreg s2  }
0xb0: {  	[dreg:$0x3] =	wrdreg s24  }
0xb1: {  	[dreg:$0x4] =	wrdreg s18  }
0xb2: {  	[dreg:$0x5] =	wrdreg $0xBC000  }
0xb3: {  	[dreg:$0x6] =	wrdreg $0x9  }
0xb4: {  	_ =	task.clear_ibuf [dreg:s8], $0x7FFFF;
	_ =	strace $0x90000046  }
0xb5: {  	s29 =	simm.s32 $0x9;
	_ =	strace $0x80000048  }
0xb6: {  	_ =	swait.ge [sflag:s29], $0x1  }
0xb7: {  	[sflag:s29] =	ssyncadd.s32 $0xFFFFFFFF  }
0xb8: {  	_ =	strace $0x90000048  }
0xb9: {  	_ =	sfence  }
0xba: {  	s30 =	sld [smem:$0x0];
	_ =	sdelay $0x2  }
0xbb: {  	s31 =	sshll.u32 s1, $0xD;
	s1 =	sshrl.u32 s1, $0x2  }
0xbc: {  	s3 =	sand.u32 $0x4000, s31;
	s1 =	sadd.s32 s1, s30  }
0xbd: {  	s0 =	sor.u32 s3, s0;
	s1 =	sshll.u32 s1, $0x11  }
0xbe: {  	s0 =	sor.u32 s1, s0  }
0xbf: {  	s0 =	sadd.s32 $0x8F2B, s0  }
0xc0: {  	[sflag:s0] =	ssyncadd.remote.s32 $0x1  }
0xc1: {  	_ =	sfence.sel $0xFFFF  }
0xc2: {  	[dreg:$0x0] =	wrdreg $0xFFFFFFFF;
	(pc) =	sbr.abs _section_cstart, $3  }
0xc3: {  	[dreg:$0x1] =	wrdreg $0xFFFFFFFF  }
0xc4: {  	_ =	task.clear_ibuf [dreg:s8], $0x2FFFF;
	_ =	strace $0x9FFFFFFF  }
0xc5: {  	(tm) =	ssettm $0x7FFFFFFF  }
tec
execute0_lowered:
.L_overlay_start_1:
0x0: {  	(tag) =	ssettag $0x1  }
0x1: {  	s1 =	rddreg [dreg:$0x0]  }
0x2: {  	s0 =	rddreg [dreg:$0x1]  }
0x3: {  	s2 =	rddreg [dreg:$0x2]  }
0x4: {  	s3 =	rddreg [dreg:$0x3];
	s4 =	simm.s32 $0x0;
	s5 =	srdreg.scid  }
0x5: {  	s12 =	stileid.u32;
	s18 =	simm.s32 $0x3C00;
	s19 =	simm.s32 $0x3  }
0x6: {  	s20 =	simm.s32 $0x1400;
	s21 =	simm.s32 $0x2800;
	s22 =	simm.s32 $0x80  }
0x7: {  	s23 =	simm.s32 $0x7C00;
	s24 =	simm.s32 $0x1;
	s25 =	simm.s32 $0x2  }
0x8: {  	s26 =	simm.s32 $0x0;
	[smem:$0x7FF] =	sst s4;
	s5 =	sand.u32 $0x1, s5  }
0x9: {  	s6 =	sadd.s32 $0xAC00, s0;
	s7 =	sadd.s32 $0xC00, s0;
	s9 =	smul.u32 $0x4E000, s12  }
0xa: {  	s0 =	sadd.s32 $0x14C00, s0;
	s15 =	smul.u32 $0x2700, s12;
	p0 =	sne.s32 s12, $0xF  }
0xb: {  	_ =	strace $0x80000047;
	s8 =	sshll.u32 s5, $0x4;
	s14 =	smul.u32 $0x138800, s5  }
0xc: {  	s10 =	ssub.s32 $0x2, s5;
	s5 =	smul.u32 $0x27100, s5;
	s9 =	sshrl.u32 s9, $0x2  }
0xd: {  	s8 =	sor.u32 s12, s8;
	s11 =	sshrl.u32 s10, $0x1;
	s9 =	sadd.s32 s9, s3  }
0xe: {  	s8 =	smul.u32 $0x50, s8;
	s17 =	ssub.s32 s10, s11;
	s28 =	sadd.s32 $0x4000, s9  }
0xf: {  	s16 =	sshrl.u32 s14, $0x3;
	s29 =	sadd.s32 $0x8000, s9;
	[dreg:$0x5] =	wrdreg s28  }
0x10: {  	s14 =	sadd.s32 $0x138000, s3;
	s30 =	sadd.s32 $0xC000, s9;
	[dreg:$0x6] =	wrdreg s29  }
0x11: {  	s5 =	sadd.s32 s15, s5;
	s31 =	sadd.s32 $0x10000, s9;
	[dreg:$0x7] =	wrdreg s30  }
0x12: {  	s16 =	sadd.s32 s0, s16;
	s0 =	sadd.s32 s0, s5;
	[dreg:$0x8] =	wrdreg s31  }
0x13: {  	v0 =	vimm.f32 $0.0e+00;
	s17 =	smax.u32 s17, $0x1;
	[dreg:$0x9] =	wrdreg s0;
	s16 =	sadd.s32 $0x27000, s16  }
.LBB2_1:
0x14: {  	s0 =	simm.s32 $0x0;
	s5 =	simm.s32 $0x200  }
.LBB2_2:
0x15: {  	p1 =	sne.s32 s5, $0xFE00;
	[tilespmem:s0+$0x3C70] =	vst v0  }
0x16: {  	[tilespmem:s0+$0x3C00] =	vst v0  }
0x17: {  	[tilespmem:s0+$0x3C10] =	vst v0  }
.Ltmp0:
0x18: {  	[tilespmem:s0+$0x3C20] =	vst v0;
	(pc) =	sbr.rel @p1 .LBB2_2-.Ltmp0, $4  }
0x19: {  	[tilespmem:s0+$0x3C30] =	vst v0  }
0x1a: {  	[tilespmem:s0+$0x3C40] =	vst v0  }
0x1b: {  	[tilespmem:s0+$0x3C50] =	vst v0  }
0x1c: {  	[tilespmem:s0+$0x3C60] =	vst v0;
	s0 =	sshra.s32 s5, $0x2;
	s5 =	sadd.s32 $0x200, s5  }
0x1d: {  	[tilespmem:s0+$0x3C70] =	vst v0  }
0x1e: {  	[tilespmem:s0+$0x3C00] =	vst v0  }
0x1f: {  	[tilespmem:s0+$0x3C10] =	vst v0  }
0x20: {  	[tilespmem:s0+$0x3C20] =	vst v0  }
0x21: {  	[tilespmem:s0+$0x3C30] =	vst v0  }
0x22: {  	[tilespmem:s0+$0x3C40] =	vst v0  }
0x23: {  	[tilespmem:s0+$0x3C50] =	vst v0  }
0x24: {  	[tilespmem:s0+$0x3C60] =	vst v0  }
0x25: {  	[spmem:s9] =	stream.linear.scatter [tilespmem:s18], [sflag:$0x3], $0x4000, $0x38;
	[tilespmem:$0x1F480] =	vst v63  }
0x26: {  	_ =	swait.ge [sflag:s19], $0x4000  }
0x27: {  	[sflag:s19] =	ssyncset.done $0x0  }
0x28: {  	s28 =	rddreg [dreg:$0x5];
	[sflag:s19] =	ssyncadd.s32 $0xFFFFC000  }
0x29: {  	[spmem:s28] =	stream.linear.scatter [tilespmem:s18], [sflag:$0x3], $0x4000, $0x38;
	[tilespmem:$0x1F480] =	vst v63  }
0x2a: {  	_ =	swait.ge [sflag:s19], $0x4000  }
0x2b: {  	[sflag:s19] =	ssyncset.done $0x0  }
0x2c: {  	s29 =	rddreg [dreg:$0x6];
	[sflag:s19] =	ssyncadd.s32 $0xFFFFC000  }
0x2d: {  	[spmem:s29] =	stream.linear.scatter [tilespmem:s18], [sflag:$0x3], $0x4000, $0x38;
	[tilespmem:$0x1F480] =	vst v63  }
0x2e: {  	_ =	swait.ge [sflag:s19], $0x4000  }
0x2f: {  	[sflag:s19] =	ssyncset.done $0x0  }
0x30: {  	s30 =	rddreg [dreg:$0x7];
	[sflag:s19] =	ssyncadd.s32 $0xFFFFC000  }
0x31: {  	[spmem:s30] =	stream.linear.scatter [tilespmem:s18], [sflag:$0x3], $0x4000, $0x38;
	[tilespmem:$0x1F480] =	vst v63  }
0x32: {  	_ =	swait.ge [sflag:s19], $0x4000  }
0x33: {  	[sflag:s19] =	ssyncset.done $0x0  }
0x34: {  	s31 =	rddreg [dreg:$0x8];
	[sflag:s19] =	ssyncadd.s32 $0xFFFFC000  }
0x35: {  	[spmem:s31] =	stream.linear.scatter [tilespmem:s18], [sflag:$0x3], $0x3800, $0x38;
	[tilespmem:$0x1F480] =	vst v63  }
0x36: {  	_ =	swait.ge [sflag:s19], $0x3800  }
0x37: {  	[sflag:s19] =	ssyncset.done $0x0  }
0x38: {  	s0 =	simm.s32 @!p0 $0x3C00;
	[sflag:s19] =	ssyncadd.s32 $0xFFFFC800  }
0x39: {  	[spmem:s14] =	stream.linear.scatter @!p0 [tilespmem:s0], [sflag:$0x3], $0x800, $0x38;
	[tilespmem:$0x1F480] =	vst v63  }
0x3a: {  	s0 =	simm.s32 @!p0 $0x3  }
0x3b: {  	_ =	swait.ge @!p0 [sflag:s0], $0x800  }
0x3c: {  	[sflag:s0] =	ssyncset.done @!p0 $0x0  }
0x3d: {  	[sflag:s0] =	ssyncadd.s32 @!p0 $0xFFFFF800  }
0x3e: {  	p2 =	por $0x1, $0x1;
	s0 =	simm.s32 $0x0;
	[bflag:$0x0] =	sbarrier.arrive $0xFFFF  }
.LBB2_4:
0x3f: {  	s0 =	sadd.s32 s8, s0  }
0x40: {  	s0 =	sshll.u32 s0, $0x4  }
0x41: {  	s5 =	sadd.s32 s6, s0  }
0x42: {  	[tilespmem:s26], [sflag:$0x3] =	stream.linear.gather [hbm4b:s5+s26], $0x1400, $0x38;
	[tilespmem:$0x1F480] =	vst v63  }
0x43: {  	_ =	swait.ge [sflag:s19], $0x1400  }
0x44: {  	[sflag:s19] =	ssyncset.done $0x0  }
0x45: {  	s31 =	sadd.s32 s2, s0;
	[sflag:s19] =	ssyncadd.s32 $0xFFFFEC00  }
0x46: {  	[tilespmem:s20], [sflag:$0x3] =	stream.linear.gather [hbm4b:s31+s26], $0x1400, $0x38;
	[tilespmem:$0x1F480] =	vst v63  }
0x47: {  	_ =	swait.ge [sflag:s19], $0x1400  }
0x48: {  	[sflag:s19] =	ssyncset.done $0x0  }
0x49: {  	s0 =	sadd.s32 s7, s0;
	[sflag:s19] =	ssyncadd.s32 $0xFFFFEC00  }
0x4a: {  	[tilespmem:s21], [sflag:$0x3] =	stream.linear.gather [hbm4b:s0+s26], $0x1400, $0x38;
	[tilespmem:$0x1F480] =	vst v63  }
0x4b: {  	_ =	swait.ge [sflag:s19], $0x1400  }
0x4c: {  	p1 =	por p2, p2;
	[sflag:s19] =	ssyncset.done $0x0  }
0x4d: {  	s28 =	simm.s32 $0x0;
	s29 =	simm.s32 $0x0;
	[sflag:s19] =	ssyncadd.s32 $0xFFFFEC00  }
0x4e: {  	[tilespmem:s18], [sflag:$0x1] =	stream.indirect.gather [hbm4b:s1+s22], $0x80, s26, s22, $0xb8;
	[tilespmem:$0x1F480] =	vst v63  }
.LBB2_5:
0x4f: {  	s30 =	sshll.u32 s29, $0x8  }
0x50: {  	s30 =	sor.u32 $0x80, s30  }
0x51: {  	[tilespmem:s23], [sflag:$0x2] =	stream.indirect.gather [hbm4b:s1+s22], $0x80, s30, s22, $0xb8;
	[tilespmem:$0x1F480] =	vst v63  }
0x52: {  	s0 =	sadd.s32 $0xFFFFFFF8, s28;
	_ =	swait.ge [sflag:s24], $0x4000  }
0x53: {  	s5 =	sadd.s32 $0x8, s0;
	[sflag:s24] =	ssyncset.done $0x0  }
0x54: {  	s31 =	simm.s32 $0x3E00;
	s15 =	sadd.s32 $0xE, s0;
	v1 =	vmov s5;
	[sflag:s24] =	ssyncadd.s32 $0xFFFFC000  }
0x55: {  	v2 =	vmov s15;
	v1 =	vand.u32 $0xFFFFFFF8, v1;
	v4 =	vld [tilespmem:s31+$0xFFFFFE00]  }
0x56: {  	v2 =	vand.u32 $0xFFFFFFFE, v2;
	v1 =	vbroadcast v1, $0x0;
	v6 =	vld [tilespmem:s31+$0xFFFFFE10]  }
0x57: {  	v2 =	vbroadcast v2, $0x0;
	v7 =	vld [tilespmem:s31+$0xFFFFFE30]  }
0x58: {  	v8 =	vld [tilespmem:s31+$0xFFFFFE40]  }
0x59: {  	v9 =	vld [tilespmem:s31+$0xFFFFFE50]  }
0x5a: {  	s10 =	sadd.s32 $0x9, s0;
	v10 =	vld [tilespmem:s31+$0xFFFFFE60]  }
0x5b: {  	v3 =	vmov s10;
	v12 =	vld [tilespmem:s31+$0xFFFFFE70]  }
0x5c: {  	v3 =	vand.u32 $0xFFFFFFF9, v3;
	v5 =	vld.idx.msk [tilespmem:v1+s21+$0x0], $0xffff  }
0x5d: {  	v3 =	vbroadcast v3, $0x0;
	v1 =	vld.idx.msk [tilespmem:v2+s21+$0x0], $0xffff  }
0x5e: {  	v2 =	vld [tilespmem:s31+$0x170]  }
0x5f: {  	v13 =	vld [tilespmem:s31+$0xFFFFFE80]  }
0x60: {  	v14 =	vld [tilespmem:s31+$0xFFFFFE90]  }
0x61: {  	s11 =	sadd.s32 $0xA, s0;
	v15 =	vld [tilespmem:s31+$0xFFFFFEA0]  }
0x62: {  	v11 =	vmov s11;
	v16 =	vld [tilespmem:s31+$0xFFFFFEB0];
	v4 =	vmul.f32 v4, v5  }
0x63: {  	v11 =	vand.u32 $0xFFFFFFFA, v11;
	v3 =	vld.idx.msk [tilespmem:v3+s21+$0x0], $0xffff;
	v2 =	vmul.f32 v2, v1  }
0x64: {  	v11 =	vbroadcast v11, $0x0;
	v51 =	vld [tilespmem:s31+$0xFFFFFED0];
	v8 =	vmul.f32 v8, v5;
	[tilespmem:s31+$0xFFFFFE00] =	vst v4  }
0x65: {  	v52 =	vld [tilespmem:s31+$0xFFFFFF20];
	v6 =	vmul.f32 v6, v5;
	[tilespmem:s31+$0x170] =	vst v2  }
0x66: {  	v4 =	vld [tilespmem:s31+$0xFFFFFE20];
	[tilespmem:s31+$0xFFFFFE40] =	vst v8;
	v8 =	vmul.f32 v10, v5  }
0x67: {  	v53 =	vld [tilespmem:s31+$0xFFFFFF30];
	v7 =	vmul.f32 v7, v5;
	[tilespmem:s31+$0xFFFFFE10] =	vst v6  }
0x68: {  	v54 =	vld [tilespmem:s31+$0xFFFFFF40];
	[tilespmem:s31+$0xFFFFFE60] =	vst v8;
	v8 =	vmul.f32 v14, v3  }
0x69: {  	v55 =	vld [tilespmem:s31+$0xFFFFFFA0];
	v6 =	vmul.f32 v13, v3;
	[tilespmem:s31+$0xFFFFFE30] =	vst v7  }
0x6a: {  	s12 =	sadd.s32 $0xB, s0;
	v11 =	vld.idx.msk [tilespmem:v11+s21+$0x0], $0xffff;
	[tilespmem:s31+$0xFFFFFE90] =	vst v8;
	v8 =	vmul.f32 v16, v3  }
0x6b: {  	v10 =	vld [tilespmem:s31+$0xFFFFFF00];
	[tilespmem:s31+$0xFFFFFE80] =	vst v6;
	v6 =	vmov s12;
	v2 =	vmul.f32 v4, v5  }
0x6c: {  	v7 =	vmul.f32 v9, v5;
	v6 =	vand.u32 $0xFFFFFFFB, v6;
	v4 =	vld [tilespmem:s31+$0xFFFFFEC0];
	v5 =	vmul.f32 v12, v5;
	[tilespmem:s31+$0xFFFFFEB0] =	vst v8  }
0x6d: {  	v6 =	vbroadcast v6, $0x0;
	v8 =	vld [tilespmem:s31+$0xFFFFFF60];
	[tilespmem:s31+$0xFFFFFE20] =	vst v2  }
0x6e: {  	v2 =	vld [tilespmem:s31+$0xFFFFFEE0];
	[tilespmem:s31+$0xFFFFFE70] =	vst v5;
	v5 =	vmul.f32 v15, v3  }
0x6f: {  	v9 =	vld [tilespmem:s31+$0xFFFFFEF0];
	v13 =	vmul.f32 v51, v3;
	[tilespmem:s31+$0xFFFFFE50] =	vst v7  }
0x70: {  	v7 =	vld [tilespmem:s31+$0xFFFFFF10];
	[tilespmem:s31+$0xFFFFFEA0] =	vst v5;
	v5 =	vmul.f32 v10, v11  }
0x71: {  	v56 =	vld [tilespmem:s31+$0xFFFFFFB0];
	[tilespmem:s31+$0xFFFFFED0] =	vst v13;
	v4 =	vmul.f32 v4, v3  }
0x72: {  	v10 =	vld [tilespmem:s31+$0xFFFFFF50];
	[tilespmem:s31+$0xFFFFFF00] =	vst v5;
	v8 =	vmul.f32 v8, v11  }
0x73: {  	s13 =	sadd.s32 $0xC, s0;
	v6 =	vld.idx.msk [tilespmem:v6+s21+$0x0], $0xffff;
	[tilespmem:s31+$0xFFFFFEC0] =	vst v4;
	v2 =	vmul.f32 v2, v3  }
0x74: {  	v5 =	vmov s13;
	v4 =	vld [tilespmem:s31+$0xFFFFFF70];
	v3 =	vmul.f32 v9, v3;
	[tilespmem:s31+$0xFFFFFF60] =	vst v8  }
0x75: {  	v5 =	vand.u32 $0xFFFFFFFC, v5;
	v9 =	vld [tilespmem:s31+$0xFFFFFF80];
	[tilespmem:s31+$0xFFFFFEE0] =	vst v2;
	v2 =	vmul.f32 v7, v11  }
0x76: {  	v57 =	vld [tilespmem:s31+$0xFFFFFFC0];
	v5 =	vbroadcast v5, $0x0;
	[tilespmem:s31+$0xFFFFFEF0] =	vst v3;
	v3 =	vmul.f32 v52, v11  }
0x77: {  	v7 =	vld [tilespmem:s31+$0xFFFFFF90];
	v10 =	vmul.f32 v10, v11;
	[tilespmem:s31+$0xFFFFFF10] =	vst v2  }
0x78: {  	v58 =	vld [tilespmem:s31+$0x20];
	v2 =	vmul.f32 v53, v11;
	[tilespmem:s31+$0xFFFFFF20] =	vst v3  }
0x79: {  	v8 =	vld [tilespmem:s31+$0x0];
	v3 =	vmul.f32 v54, v11;
	[tilespmem:s31+$0xFFFFFF50] =	vst v10  }
0x7a: {  	v4 =	vmul.f32 v4, v11;
	v11 =	vld [tilespmem:s31+$0x10];
	[tilespmem:s31+$0xFFFFFF30] =	vst v2;
	v2 =	vmul.f32 v9, v6  }
0x7b: {  	s15 =	sadd.s32 $0xD, s0;
	[tilespmem:s31+$0xFFFFFF40] =	vst v3;
	v3 =	vld [tilespmem:s31+$0xFFFFFFE0]  }
0x7c: {  	v5 =	vld.idx.msk [tilespmem:v5+s21+$0x0], $0xffff;
	v7 =	vmul.f32 v7, v6;
	[tilespmem:s31+$0xFFFFFF80] =	vst v2;
	v2 =	vmov s15  }
0x7d: {  	v9 =	vld [tilespmem:s31+$0xFFFFFFD0];
	[tilespmem:s31+$0xFFFFFF70] =	vst v4;
	v4 =	vmul.f32 v55, v6;
	v2 =	vand.u32 $0xFFFFFFFD, v2  }
0x7e: {  	v59 =	vld [tilespmem:s31+$0x30];
	[tilespmem:s31+$0xFFFFFF90] =	vst v7;
	v7 =	vmul.f32 v56, v6;
	v2 =	vbroadcast v2, $0x0  }
0x7f: {  	v61 =	vld [tilespmem:s31+$0xC0];
	[tilespmem:s31+$0xFFFFFFA0] =	vst v4;
	v4 =	vmul.f32 v57, v6  }
0x80: {  	v10 =	vld [tilespmem:s31+$0xFFFFFFF0];
	[tilespmem:s31+$0xFFFFFFB0] =	vst v7;
	v3 =	vmul.f32 v3, v6  }
0x81: {  	[tilespmem:s31+$0xFFFFFFC0] =	vst v4;
	v4 =	vmul.f32 v8, v5;
	v8 =	vld [tilespmem:s31+$0x50]  }
0x82: {  	v7 =	vmul.f32 v9, v6;
	v9 =	vld [tilespmem:s31+$0x40];
	[tilespmem:s31+$0xFFFFFFE0] =	vst v3;
	v3 =	vmul.f32 v11, v5  }
0x83: {  	[tilespmem:s31+$0x0] =	vst v4;
	v4 =	vld [tilespmem:s31+$0x70]  }
0x84: {  	[tilespmem:s31+$0x10] =	vst v3;
	v3 =	vmul.f32 v59, v5;
	v60 =	vld.idx.msk [tilespmem:v2+s21+$0x0], $0xffff  }
0x85: {  	[tilespmem:s31+$0xFFFFFFD0] =	vst v7;
	v2 =	vmul.f32 v10, v6;
	v6 =	vld [tilespmem:s31+$0x80]  }
0x86: {  	v7 =	vld [tilespmem:s31+$0x60];
	[tilespmem:s31+$0x30] =	vst v3;
	v3 =	vmul.f32 v8, v5  }
0x87: {  	v10 =	vld [tilespmem:s31+$0x90];
	[tilespmem:s31+$0xFFFFFFF0] =	vst v2;
	v2 =	vmul.f32 v58, v5  }
0x88: {  	v8 =	vld [tilespmem:s31+$0xB0];
	[tilespmem:s31+$0x50] =	vst v3;
	v4 =	vmul.f32 v4, v5  }
0x89: {  	s0 =	sadd.s32 $0xF, s0;
	[tilespmem:s31+$0x20] =	vst v2;
	v2 =	vmul.f32 v9, v5;
	v9 =	vld [tilespmem:s31+$0xA0]  }
0x8a: {  	v62 =	vld [tilespmem:s31+$0xD0];
	v11 =	vmov s0;
	v3 =	vmul.f32 v6, v60;
	[tilespmem:s31+$0x70] =	vst v4  }
0x8b: {  	v63 =	vld [tilespmem:s31+$0xE0];
	[tilespmem:s31+$0x40] =	vst v2;
	v2 =	vmul.f32 v7, v5  }
0x8c: {  	v6 =	vld [tilespmem:s31+$0x110];
	v5 =	vmul.f32 v10, v60;
	[tilespmem:s31+$0x80] =	vst v3  }
0x8d: {  	v10 =	vld [tilespmem:s31+$0xF0];
	v4 =	vmul.f32 v8, v60;
	[tilespmem:s31+$0x60] =	vst v2  }
0x8e: {  	v7 =	vld [tilespmem:s31+$0x100];
	[tilespmem:s31+$0x90] =	vst v5;
	v3 =	vmul.f32 v9, v60  }
0x8f: {  	v8 =	vmul.f32 v62, v60;
	v2 =	vld.idx.msk [tilespmem:v11+s21+$0x0], $0xffff;
	[tilespmem:s31+$0xB0] =	vst v4  }
0x90: {  	v5 =	vld [tilespmem:s31+$0x120];
	[tilespmem:s31+$0xA0] =	vst v3;
	v3 =	vmul.f32 v61, v60  }
0x91: {  	v4 =	vld [tilespmem:s31+$0x130];
	[tilespmem:s31+$0xD0] =	vst v8;
	v9 =	vmul.f32 v63, v60  }
0x92: {  	s5 =	simm.s32 $0x0;
	s0 =	simm.s32 $0x3E00;
	v8 =	vmul.f32 v10, v60;
	[tilespmem:s31+$0xC0] =	vst v3;
	v3 =	vld [tilespmem:s31+$0x140]  }
.LBB2_6:
0x93: {  	s10 =	sadd.s32 s5, s28;
	s5 =	sadd.s32 $0x8, s5;
	[tilespmem:s31+$0xE0] =	vst v9;
	v7 =	vmul.f32 v7, v1;
	v9 =	vld [tilespmem:s31+$0x150]  }
0x94: {  	s11 =	sadd.s32 $0x8, s10;
	s12 =	sadd.s32 $0xE, s10;
	p2 =	slt.u32 s5, $0x78;
	[tilespmem:s31+$0xF0] =	vst v8;
	v6 =	vmul.f32 v6, v1;
	v8 =	vld [tilespmem:s31+$0x160]  }
0x95: {  	s13 =	sadd.s32 $0xA, s10;
	s15 =	sadd.s32 $0xB, s10;
	v10 =	vmov s11;
	s11 =	sadd.s32 $0x9, s10;
	v11 =	vmov s12;
	[tilespmem:s31+$0x100] =	vst v7;
	v5 =	vmul.f32 v5, v1;
	v7 =	vld [tilespmem:s31+$0x180]  }
0x96: {  	v13 =	vmov s13;
	s12 =	sadd.s32 $0xD, s10;
	v12 =	vmov s11;
	s11 =	sadd.s32 $0xC, s10;
	v11 =	vand.u32 $0xFFFFFFFE, v11;
	s10 =	sadd.s32 $0xF, s10;
	[tilespmem:s31+$0x110] =	vst v6;
	v6 =	vld [tilespmem:s31+$0x190]  }
0x97: {  	v14 =	vmov s15;
	v15 =	vmov s11;
	v11 =	vbroadcast v11, $0x0;
	[tilespmem:s31+$0x120] =	vst v5;
	v5 =	vld [tilespmem:s31+$0x1A0]  }
0x98: {  	v10 =	vand.u32 $0xFFFFFFF8, v10;
	v16 =	vmov s12;
	v12 =	vand.u32 $0xFFFFFFF9, v12;
	v17 =	vld [tilespmem:s31+$0x1B0]  }
0x99: {  	v13 =	vand.u32 $0xFFFFFFFA, v13;
	v14 =	vand.u32 $0xFFFFFFFB, v14;
	v15 =	vand.u32 $0xFFFFFFFC, v15;
	v18 =	vld [tilespmem:s31+$0x1C0]  }
0x9a: {  	v10 =	vbroadcast v10, $0x0;
	v16 =	vand.u32 $0xFFFFFFFD, v16;
	v12 =	vbroadcast v12, $0x0;
	v19 =	vld [tilespmem:s31+$0x1D0]  }
0x9b: {  	v13 =	vbroadcast v13, $0x0;
	v14 =	vbroadcast v14, $0x0;
	v20 =	vmov s10;
	v21 =	vld [tilespmem:s31+$0x1E0]  }
0x9c: {  	v16 =	vbroadcast v16, $0x0;
	v15 =	vbroadcast v15, $0x0;
	v22 =	vld [tilespmem:s31+$0x1F0]  }
0x9d: {  	v4 =	vmul.f32 v4, v1;
	v3 =	vmul.f32 v3, v1;
	s31 =	sadd.s32 $0x400, s31;
	v11 =	vld.idx.msk [tilespmem:v11+s21+$0x0], $0xffff  }
0x9e: {  	v9 =	vmul.f32 v9, v1;
	v1 =	vmul.f32 v8, v1;
	v23 =	vld [tilespmem:s31+$0x170]  }
0x9f: {  	v6 =	vmul.f32 v6, v2;
	v8 =	vld [tilespmem:s31+$0xFFFFFE00];
	[tilespmem:s0+$0x130] =	vst v4;
	v4 =	vmul.f32 v7, v2  }
0xa0: {  	v17 =	vmul.f32 v17, v2;
	v7 =	vld.idx.msk [tilespmem:v10+s21+$0x0], $0xffff;
	[tilespmem:s0+$0x140] =	vst v3;
	v10 =	vmul.f32 v5, v2  }
0xa1: {  	v12 =	vld.idx.msk [tilespmem:v12+s21+$0x0], $0xffff;
	[tilespmem:s0+$0x150] =	vst v9;
	v9 =	vmul.f32 v18, v2;
	v18 =	vmul.f32 v19, v2  }
0xa2: {  	v19 =	vmul.f32 v21, v2;
	v21 =	vmul.f32 v22, v2;
	v13 =	vld.idx.msk [tilespmem:v13+s21+$0x0], $0xffff;
	[tilespmem:s0+$0x160] =	vst v1  }
0xa3: {  	v1 =	vmov v11;
	v5 =	vld.idx.msk [tilespmem:v14+s21+$0x0], $0xffff;
	v2 =	vmul.f32 v23, v11;
	[tilespmem:s0+$0x180] =	vst v4  }
0xa4: {  	v4 =	vld.idx.msk [tilespmem:v15+s21+$0x0], $0xffff;
	[tilespmem:s0+$0x190] =	vst v6  }
0xa5: {  	v3 =	vld.idx.msk [tilespmem:v16+s21+$0x0], $0xffff;
	[tilespmem:s31+$0x170] =	vst v2  }
0xa6: {  	v6 =	vmul.f32 v8, v7;
	v2 =	vld.idx.msk [tilespmem:v20+s21+$0x0], $0xffff;
	[tilespmem:s0+$0x1A0] =	vst v10  }
0xa7: {  	v8 =	vld [tilespmem:s31+$0xFFFFFE10];
	[tilespmem:s0+$0x1B0] =	vst v17  }
0xa8: {  	[tilespmem:s31+$0xFFFFFE00] =	vst v6;
	v6 =	vld [tilespmem:s31+$0xFFFFFE20]  }
0xa9: {  	v10 =	vld [tilespmem:s31+$0xFFFFFE30];
	[tilespmem:s0+$0x1C0] =	vst v9  }
0xaa: {  	v9 =	vld [tilespmem:s31+$0xFFFFFE40];
	[tilespmem:s0+$0x1D0] =	vst v18  }
0xab: {  	v11 =	vld [tilespmem:s31+$0xFFFFFE50];
	[tilespmem:s0+$0x1E0] =	vst v19  }
0xac: {  	v8 =	vmul.f32 v8, v7;
	v14 =	vld [tilespmem:s31+$0xFFFFFE60];
	[tilespmem:s0+$0x1F0] =	vst v21;
	s0 =	smov.u32 s31  }
0xad: {  	v6 =	vmul.f32 v6, v7;
	v15 =	vld [tilespmem:s31+$0xFFFFFE70]  }
0xae: {  	[tilespmem:s31+$0xFFFFFE10] =	vst v8;
	v8 =	vmul.f32 v10, v7;
	v10 =	vld [tilespmem:s31+$0xFFFFFE80]  }
0xaf: {  	[tilespmem:s31+$0xFFFFFE20] =	vst v6;
	v6 =	vmul.f32 v9, v7;
	v9 =	vld [tilespmem:s31+$0xFFFFFE90]  }
0xb0: {  	[tilespmem:s31+$0xFFFFFE30] =	vst v8;
	v8 =	vmul.f32 v11, v7;
	v11 =	vld [tilespmem:s31+$0xFFFFFEA0]  }
0xb1: {  	[tilespmem:s31+$0xFFFFFE40] =	vst v6;
	v6 =	vmul.f32 v14, v7;
	v14 =	vld [tilespmem:s31+$0xFFFFFEB0]  }
0xb2: {  	[tilespmem:s31+$0xFFFFFE50] =	vst v8;
	v7 =	vmul.f32 v15, v7;
	v8 =	vld [tilespmem:s31+$0xFFFFFEC0]  }
0xb3: {  	[tilespmem:s31+$0xFFFFFE60] =	vst v6;
	v6 =	vmul.f32 v10, v12;
	v10 =	vld [tilespmem:s31+$0xFFFFFED0]  }
0xb4: {  	[tilespmem:s31+$0xFFFFFE70] =	vst v7;
	v7 =	vmul.f32 v9, v12;
	v9 =	vld [tilespmem:s31+$0xFFFFFEE0]  }
0xb5: {  	[tilespmem:s31+$0xFFFFFE80] =	vst v6;
	v6 =	vmul.f32 v11, v12;
	v11 =	vld [tilespmem:s31+$0xFFFFFEF0]  }
0xb6: {  	[tilespmem:s31+$0xFFFFFE90] =	vst v7;
	v7 =	vmul.f32 v14, v12;
	v14 =	vld [tilespmem:s31+$0xFFFFFF00]  }
0xb7: {  	[tilespmem:s31+$0xFFFFFEA0] =	vst v6;
	v6 =	vmul.f32 v8, v12;
	v8 =	vld [tilespmem:s31+$0xFFFFFF10]  }
0xb8: {  	[tilespmem:s31+$0xFFFFFEB0] =	vst v7;
	v7 =	vmul.f32 v10, v12;
	v10 =	vld [tilespmem:s31+$0xFFFFFF20]  }
0xb9: {  	[tilespmem:s31+$0xFFFFFEC0] =	vst v6;
	v6 =	vmul.f32 v9, v12;
	v9 =	vld [tilespmem:s31+$0xFFFFFF30]  }
0xba: {  	[tilespmem:s31+$0xFFFFFED0] =	vst v7;
	v7 =	vmul.f32 v11, v12;
	v11 =	vld [tilespmem:s31+$0xFFFFFF40]  }
0xbb: {  	[tilespmem:s31+$0xFFFFFEE0] =	vst v6;
	v6 =	vmul.f32 v14, v13;
	v12 =	vld [tilespmem:s31+$0xFFFFFF50]  }
0xbc: {  	[tilespmem:s31+$0xFFFFFEF0] =	vst v7;
	v7 =	vmul.f32 v8, v13;
	v8 =	vld [tilespmem:s31+$0xFFFFFF60]  }
0xbd: {  	[tilespmem:s31+$0xFFFFFF00] =	vst v6;
	v6 =	vmul.f32 v10, v13;
	v10 =	vld [tilespmem:s31+$0xFFFFFF70]  }
0xbe: {  	[tilespmem:s31+$0xFFFFFF10] =	vst v7;
	v7 =	vmul.f32 v9, v13;
	v9 =	vld [tilespmem:s31+$0xFFFFFF80]  }
0xbf: {  	[tilespmem:s31+$0xFFFFFF20] =	vst v6;
	v6 =	vmul.f32 v11, v13;
	v11 =	vld [tilespmem:s31+$0xFFFFFF90]  }
0xc0: {  	[tilespmem:s31+$0xFFFFFF30] =	vst v7;
	v7 =	vmul.f32 v12, v13;
	v12 =	vld [tilespmem:s31+$0xFFFFFFA0]  }
0xc1: {  	[tilespmem:s31+$0xFFFFFF40] =	vst v6;
	v6 =	vmul.f32 v8, v13;
	v8 =	vld [tilespmem:s31+$0xFFFFFFB0]  }
0xc2: {  	[tilespmem:s31+$0xFFFFFF50] =	vst v7;
	v7 =	vmul.f32 v10, v13;
	v10 =	vld [tilespmem:s31+$0xFFFFFFC0]  }
0xc3: {  	[tilespmem:s31+$0xFFFFFF60] =	vst v6;
	v6 =	vmul.f32 v9, v5;
	v9 =	vld [tilespmem:s31+$0xFFFFFFD0]  }
0xc4: {  	[tilespmem:s31+$0xFFFFFF70] =	vst v7;
	v7 =	vmul.f32 v11, v5;
	v11 =	vld [tilespmem:s31+$0xFFFFFFE0]  }
0xc5: {  	[tilespmem:s31+$0xFFFFFF80] =	vst v6;
	v6 =	vmul.f32 v12, v5;
	v12 =	vld [tilespmem:s31+$0xFFFFFFF0]  }
0xc6: {  	[tilespmem:s31+$0xFFFFFF90] =	vst v7;
	v7 =	vmul.f32 v8, v5;
	v8 =	vld [tilespmem:s31+$0x0]  }
0xc7: {  	[tilespmem:s31+$0xFFFFFFA0] =	vst v6;
	v6 =	vmul.f32 v10, v5;
	v10 =	vld [tilespmem:s31+$0x10]  }
0xc8: {  	[tilespmem:s31+$0xFFFFFFB0] =	vst v7;
	v7 =	vmul.f32 v9, v5;
	v9 =	vld [tilespmem:s31+$0x20]  }
0xc9: {  	[tilespmem:s31+$0xFFFFFFC0] =	vst v6;
	v6 =	vmul.f32 v11, v5;
	v11 =	vld [tilespmem:s31+$0x30]  }
0xca: {  	[tilespmem:s31+$0xFFFFFFD0] =	vst v7;
	v5 =	vmul.f32 v12, v5;
	v7 =	vld [tilespmem:s31+$0x40]  }
0xcb: {  	[tilespmem:s31+$0xFFFFFFE0] =	vst v6;
	v6 =	vmul.f32 v8, v4;
	v8 =	vld [tilespmem:s31+$0x50]  }
0xcc: {  	[tilespmem:s31+$0xFFFFFFF0] =	vst v5;
	v5 =	vmul.f32 v10, v4;
	v10 =	vld [tilespmem:s31+$0x60]  }
0xcd: {  	[tilespmem:s31+$0x0] =	vst v6;
	v6 =	vmul.f32 v9, v4;
	v9 =	vld [tilespmem:s31+$0x70]  }
0xce: {  	[tilespmem:s31+$0x10] =	vst v5;
	v5 =	vmul.f32 v11, v4;
	v11 =	vld [tilespmem:s31+$0x80]  }
0xcf: {  	[tilespmem:s31+$0x20] =	vst v6;
	v6 =	vmul.f32 v7, v4;
	v7 =	vld [tilespmem:s31+$0x90]  }
0xd0: {  	[tilespmem:s31+$0x30] =	vst v5;
	v5 =	vmul.f32 v8, v4;
	v8 =	vld [tilespmem:s31+$0xA0]  }
0xd1: {  	[tilespmem:s31+$0x40] =	vst v6;
	v6 =	vmul.f32 v10, v4;
	v10 =	vld [tilespmem:s31+$0xB0]  }
0xd2: {  	[tilespmem:s31+$0x50] =	vst v5;
	v4 =	vmul.f32 v9, v4;
	v5 =	vld [tilespmem:s31+$0xC0]  }
0xd3: {  	[tilespmem:s31+$0x60] =	vst v6;
	v6 =	vmul.f32 v11, v3;
	v9 =	vld [tilespmem:s31+$0xD0]  }
0xd4: {  	[tilespmem:s31+$0x70] =	vst v4;
	v4 =	vmul.f32 v7, v3;
	v11 =	vld [tilespmem:s31+$0xE0]  }
0xd5: {  	[tilespmem:s31+$0x80] =	vst v6;
	v6 =	vmul.f32 v8, v3;
	v8 =	vld [tilespmem:s31+$0xF0]  }
.Ltmp1:
0xd6: {  	[tilespmem:s31+$0x90] =	vst v4;
	v4 =	vmul.f32 v10, v3;
	v7 =	vld [tilespmem:s31+$0x100];
	(pc) =	sbr.rel @p2 .LBB2_6-.Ltmp1, $4  }
0xd7: {  	[tilespmem:s31+$0xA0] =	vst v6;
	v10 =	vmul.f32 v5, v3;
	v6 =	vld [tilespmem:s31+$0x110]  }
0xd8: {  	[tilespmem:s31+$0xB0] =	vst v4;
	v12 =	vmul.f32 v9, v3;
	v5 =	vld [tilespmem:s31+$0x120]  }
0xd9: {  	[tilespmem:s31+$0xC0] =	vst v10;
	v9 =	vmul.f32 v11, v3;
	v4 =	vld [tilespmem:s31+$0x130]  }
0xda: {  	[tilespmem:s31+$0xD0] =	vst v12;
	v8 =	vmul.f32 v8, v3;
	v3 =	vld [tilespmem:s31+$0x140]  }
0xdb: {  	v10 =	vld [tilespmem:s31+$0x150];
	[tilespmem:s31+$0xE0] =	vst v9;
	v7 =	vmul.f32 v7, v1  }
0xdc: {  	v9 =	vld [tilespmem:s31+$0x160];
	[tilespmem:s31+$0xF0] =	vst v8;
	v6 =	vmul.f32 v6, v1  }
0xdd: {  	v8 =	vld [tilespmem:s31+$0x180];
	[tilespmem:s31+$0x100] =	vst v7;
	v5 =	vmul.f32 v5, v1  }
0xde: {  	v7 =	vld [tilespmem:s31+$0x190];
	[tilespmem:s31+$0x110] =	vst v6;
	v4 =	vmul.f32 v4, v1  }
0xdf: {  	v6 =	vld [tilespmem:s31+$0x1A0];
	[tilespmem:s31+$0x120] =	vst v5;
	v3 =	vmul.f32 v3, v1  }
0xe0: {  	v11 =	vld [tilespmem:s31+$0x1C0];
	v10 =	vmul.f32 v10, v1;
	[tilespmem:s0+$0x130] =	vst v4  }
0xe1: {  	v5 =	vld [tilespmem:s31+$0x1B0];
	v1 =	vmul.f32 v9, v1;
	[tilespmem:s0+$0x140] =	vst v3  }
0xe2: {  	v4 =	vld [tilespmem:s31+$0x1D0];
	v8 =	vmul.f32 v8, v2;
	[tilespmem:s0+$0x150] =	vst v10  }
0xe3: {  	v3 =	vld [tilespmem:s31+$0x1E0];
	v7 =	vmul.f32 v7, v2;
	[tilespmem:s0+$0x160] =	vst v1  }
0xe4: {  	v9 =	vld [tilespmem:s31+$0x1F0];
	v1 =	vmul.f32 v6, v2;
	[tilespmem:s0+$0x180] =	vst v8  }
0xe5: {  	v6 =	vmul.f32 v11, v2;
	[tilespmem:s0+$0x190] =	vst v7  }
0xe6: {  	v5 =	vmul.f32 v5, v2;
	[tilespmem:s0+$0x1A0] =	vst v1  }
0xe7: {  	v1 =	vmul.f32 v4, v2;
	[tilespmem:s0+$0x1C0] =	vst v6  }
0xe8: {  	[tilespmem:s0+$0x1B0] =	vst v5;
	v3 =	vmul.f32 v3, v2  }
0xe9: {  	s5 =	sshll.u32 s29, $0xA;
	v2 =	vmul.f32 v9, v2;
	[tilespmem:s0+$0x1D0] =	vst v1  }
0xea: {  	s10 =	sshrl.u32 s5, $0x2;
	[tilespmem:s0+$0x1E0] =	vst v3  }
0xeb: {  	s12 =	sadd.s32 $0x1400, s10;
	[tilespmem:s0+$0x1F0] =	vst v2  }
0xec: {  	[spmem:s3] =	stream.indirect.scatter.add.f32 [tilespmem:s18], [sflag:$0x3], $0x80, s12, s22, $0xb8;
	[tilespmem:$0x1F480] =	vst v63  }
0xed: {  	p2 =	seq.s32 s29, $0x13;
	_ =	swait.ge [sflag:s19], $0x4000  }
0xee: {  	s5 =	sshrl.u32 @!p2 s5, $0x2;
	s11 =	simm.s32 @!p2 $0x3C00;
	[sflag:s19] =	ssyncset.done $0x0  }
0xef: {  	s5 =	sadd.s32 @!p2 $0x100, s5;
	s10 =	simm.s32 @!p2 $0x80;
	[sflag:s19] =	ssyncadd.s32 $0xFFFFC000  }
0xf0: {  	[tilespmem:s11], [sflag:$0x1] =	stream.indirect.gather @!p2 [hbm4b:s1+s10], $0x80, s5, s10, $0xb8;
	[tilespmem:$0x1F480] =	vst v63  }
0xf1: {  	s0 =	sadd.s32 $0xFFFFFFF8, s28;
	_ =	swait.ge [sflag:s25], $0x4000  }
0xf2: {  	s13 =	sadd.s32 $0x88, s0;
	[sflag:s25] =	ssyncset.done $0x0  }
0xf3: {  	s31 =	simm.s32 $0x7E00;
	s15 =	sadd.s32 $0x8E, s0;
	v1 =	vmov s13;
	[sflag:s25] =	ssyncadd.s32 $0xFFFFC000  }
0xf4: {  	v2 =	vmov s15;
	v1 =	vand.u32 $0xFFFFFFF8, v1;
	v4 =	vld [tilespmem:s31+$0xFFFFFE00]  }
0xf5: {  	v2 =	vand.u32 $0xFFFFFFFE, v2;
	v1 =	vbroadcast v1, $0x0;
	v6 =	vld [tilespmem:s31+$0xFFFFFE10]  }
0xf6: {  	v2 =	vbroadcast v2, $0x0;
	v7 =	vld [tilespmem:s31+$0xFFFFFE30]  }
0xf7: {  	v8 =	vld [tilespmem:s31+$0xFFFFFE40]  }
0xf8: {  	v9 =	vld [tilespmem:s31+$0xFFFFFE50]  }
0xf9: {  	s10 =	sadd.s32 $0x89, s0;
	v10 =	vld [tilespmem:s31+$0xFFFFFE60]  }
0xfa: {  	v3 =	vmov s10;
	v12 =	vld [tilespmem:s31+$0xFFFFFE70]  }
0xfb: {  	v3 =	vand.u32 $0xFFFFFFF9, v3;
	v5 =	vld.idx.msk [tilespmem:v1+s21+$0x0], $0xffff  }
0xfc: {  	v3 =	vbroadcast v3, $0x0;
	v1 =	vld.idx.msk [tilespmem:v2+s21+$0x0], $0xffff  }
0xfd: {  	v2 =	vld [tilespmem:s31+$0x170]  }
0xfe: {  	v13 =	vld [tilespmem:s31+$0xFFFFFE80]  }
0xff: {  	v14 =	vld [tilespmem:s31+$0xFFFFFE90]  }
0x100: {  	s11 =	sadd.s32 $0x8A, s0;
	v15 =	vld [tilespmem:s31+$0xFFFFFEA0]  }
0x101: {  	v11 =	vmov s11;
	v16 =	vld [tilespmem:s31+$0xFFFFFEB0];
	v4 =	vmul.f32 v4, v5  }
0x102: {  	v11 =	vand.u32 $0xFFFFFFFA, v11;
	v3 =	vld.idx.msk [tilespmem:v3+s21+$0x0], $0xffff;
	v2 =	vmul.f32 v2, v1  }
0x103: {  	v11 =	vbroadcast v11, $0x0;
	v51 =	vld [tilespmem:s31+$0xFFFFFED0];
	v8 =	vmul.f32 v8, v5;
	[tilespmem:s31+$0xFFFFFE00] =	vst v4  }
0x104: {  	v52 =	vld [tilespmem:s31+$0xFFFFFF20];
	v6 =	vmul.f32 v6, v5;
	[tilespmem:s31+$0x170] =	vst v2  }
0x105: {  	v4 =	vld [tilespmem:s31+$0xFFFFFE20];
	[tilespmem:s31+$0xFFFFFE40] =	vst v8;
	v8 =	vmul.f32 v10, v5  }
0x106: {  	v53 =	vld [tilespmem:s31+$0xFFFFFF30];
	v7 =	vmul.f32 v7, v5;
	[tilespmem:s31+$0xFFFFFE10] =	vst v6  }
0x107: {  	v54 =	vld [tilespmem:s31+$0xFFFFFF40];
	[tilespmem:s31+$0xFFFFFE60] =	vst v8;
	v8 =	vmul.f32 v14, v3  }
0x108: {  	v55 =	vld [tilespmem:s31+$0xFFFFFFA0];
	[tilespmem:s31+$0xFFFFFE30] =	vst v7;
	v6 =	vmul.f32 v13, v3  }
0x109: {  	s12 =	sadd.s32 $0x8B, s0;
	v11 =	vld.idx.msk [tilespmem:v11+s21+$0x0], $0xffff;
	[tilespmem:s31+$0xFFFFFE90] =	vst v8;
	v8 =	vmul.f32 v16, v3  }
0x10a: {  	v10 =	vld [tilespmem:s31+$0xFFFFFF00];
	[tilespmem:s31+$0xFFFFFE80] =	vst v6;
	v6 =	vmov s12;
	v2 =	vmul.f32 v4, v5  }
0x10b: {  	v7 =	vmul.f32 v9, v5;
	v4 =	vld [tilespmem:s31+$0xFFFFFEC0];
	v6 =	vand.u32 $0xFFFFFFFB, v6;
	v5 =	vmul.f32 v12, v5;
	[tilespmem:s31+$0xFFFFFEB0] =	vst v8  }
0x10c: {  	v6 =	vbroadcast v6, $0x0;
	v8 =	vld [tilespmem:s31+$0xFFFFFF60];
	[tilespmem:s31+$0xFFFFFE20] =	vst v2  }
0x10d: {  	v2 =	vld [tilespmem:s31+$0xFFFFFEE0];
	[tilespmem:s31+$0xFFFFFE70] =	vst v5;
	v5 =	vmul.f32 v15, v3  }
0x10e: {  	v9 =	vld [tilespmem:s31+$0xFFFFFEF0];
	[tilespmem:s31+$0xFFFFFE50] =	vst v7;
	v13 =	vmul.f32 v51, v3  }
0x10f: {  	v7 =	vld [tilespmem:s31+$0xFFFFFF10];
	[tilespmem:s31+$0xFFFFFEA0] =	vst v5;
	v5 =	vmul.f32 v10, v11  }
0x110: {  	v56 =	vld [tilespmem:s31+$0xFFFFFFB0];
	[tilespmem:s31+$0xFFFFFED0] =	vst v13;
	v4 =	vmul.f32 v4, v3  }
0x111: {  	v10 =	vld [tilespmem:s31+$0xFFFFFF50];
	[tilespmem:s31+$0xFFFFFF00] =	vst v5;
	v8 =	vmul.f32 v8, v11  }
0x112: {  	s13 =	sadd.s32 $0x8C, s0;
	v6 =	vld.idx.msk [tilespmem:v6+s21+$0x0], $0xffff;
	[tilespmem:s31+$0xFFFFFEC0] =	vst v4;
	v2 =	vmul.f32 v2, v3  }
0x113: {  	v5 =	vmov s13;
	v4 =	vld [tilespmem:s31+$0xFFFFFF70];
	v3 =	vmul.f32 v9, v3;
	[tilespmem:s31+$0xFFFFFF60] =	vst v8  }
0x114: {  	v5 =	vand.u32 $0xFFFFFFFC, v5;
	v9 =	vld [tilespmem:s31+$0xFFFFFF80];
	[tilespmem:s31+$0xFFFFFEE0] =	vst v2;
	v2 =	vmul.f32 v7, v11  }
0x115: {  	v57 =	vld [tilespmem:s31+$0xFFFFFFC0];
	v5 =	vbroadcast v5, $0x0;
	[tilespmem:s31+$0xFFFFFEF0] =	vst v3;
	v3 =	vmul.f32 v52, v11  }
0x116: {  	v7 =	vld [tilespmem:s31+$0xFFFFFF90];
	v10 =	vmul.f32 v10, v11;
	[tilespmem:s31+$0xFFFFFF10] =	vst v2  }
0x117: {  	v58 =	vld [tilespmem:s31+$0x20];
	v2 =	vmul.f32 v53, v11;
	[tilespmem:s31+$0xFFFFFF20] =	vst v3  }
0x118: {  	v8 =	vld [tilespmem:s31+$0x0];
	v3 =	vmul.f32 v54, v11;
	[tilespmem:s31+$0xFFFFFF50] =	vst v10  }
0x119: {  	v4 =	vmul.f32 v4, v11;
	v11 =	vld [tilespmem:s31+$0x10];
	[tilespmem:s31+$0xFFFFFF30] =	vst v2;
	v2 =	vmul.f32 v9, v6  }
0x11a: {  	s15 =	sadd.s32 $0x8D, s0;
	[tilespmem:s31+$0xFFFFFF40] =	vst v3;
	v3 =	vld [tilespmem:s31+$0xFFFFFFE0]  }
0x11b: {  	v5 =	vld.idx.msk [tilespmem:v5+s21+$0x0], $0xffff;
	v7 =	vmul.f32 v7, v6;
	[tilespmem:s31+$0xFFFFFF80] =	vst v2;
	v2 =	vmov s15  }
0x11c: {  	v9 =	vld [tilespmem:s31+$0xFFFFFFD0];
	[tilespmem:s31+$0xFFFFFF70] =	vst v4;
	v4 =	vmul.f32 v55, v6;
	v2 =	vand.u32 $0xFFFFFFFD, v2  }
0x11d: {  	v59 =	vld [tilespmem:s31+$0x30];
	[tilespmem:s31+$0xFFFFFF90] =	vst v7;
	v7 =	vmul.f32 v56, v6;
	v2 =	vbroadcast v2, $0x0  }
0x11e: {  	v61 =	vld [tilespmem:s31+$0xC0];
	[tilespmem:s31+$0xFFFFFFA0] =	vst v4;
	v4 =	vmul.f32 v57, v6  }
0x11f: {  	v10 =	vld [tilespmem:s31+$0xFFFFFFF0];
	[tilespmem:s31+$0xFFFFFFB0] =	vst v7;
	v3 =	vmul.f32 v3, v6  }
0x120: {  	[tilespmem:s31+$0xFFFFFFC0] =	vst v4;
	v4 =	vmul.f32 v8, v5;
	v8 =	vld [tilespmem:s31+$0x50]  }
0x121: {  	v7 =	vmul.f32 v9, v6;
	v9 =	vld [tilespmem:s31+$0x40];
	[tilespmem:s31+$0xFFFFFFE0] =	vst v3;
	v3 =	vmul.f32 v11, v5  }
0x122: {  	[tilespmem:s31+$0x0] =	vst v4;
	v4 =	vld [tilespmem:s31+$0x70]  }
0x123: {  	[tilespmem:s31+$0x10] =	vst v3;
	v3 =	vmul.f32 v59, v5;
	v60 =	vld.idx.msk [tilespmem:v2+s21+$0x0], $0xffff  }
0x124: {  	[tilespmem:s31+$0xFFFFFFD0] =	vst v7;
	v2 =	vmul.f32 v10, v6;
	v6 =	vld [tilespmem:s31+$0x80]  }
0x125: {  	v7 =	vld [tilespmem:s31+$0x60];
	[tilespmem:s31+$0x30] =	vst v3;
	v3 =	vmul.f32 v8, v5  }
0x126: {  	v10 =	vld [tilespmem:s31+$0x90];
	[tilespmem:s31+$0xFFFFFFF0] =	vst v2;
	v2 =	vmul.f32 v58, v5  }
0x127: {  	v8 =	vld [tilespmem:s31+$0xB0];
	[tilespmem:s31+$0x50] =	vst v3;
	v4 =	vmul.f32 v4, v5  }
0x128: {  	s0 =	sadd.s32 $0x8F, s0;
	[tilespmem:s31+$0x20] =	vst v2;
	v2 =	vmul.f32 v9, v5;
	v9 =	vld [tilespmem:s31+$0xA0]  }
0x129: {  	v62 =	vld [tilespmem:s31+$0xD0];
	v11 =	vmov s0;
	v3 =	vmul.f32 v6, v60;
	[tilespmem:s31+$0x70] =	vst v4  }
0x12a: {  	v63 =	vld [tilespmem:s31+$0xE0];
	[tilespmem:s31+$0x40] =	vst v2;
	v2 =	vmul.f32 v7, v5  }
0x12b: {  	v6 =	vld [tilespmem:s31+$0x110];
	v5 =	vmul.f32 v10, v60;
	[tilespmem:s31+$0x80] =	vst v3  }
0x12c: {  	v10 =	vld [tilespmem:s31+$0xF0];
	v4 =	vmul.f32 v8, v60;
	[tilespmem:s31+$0x60] =	vst v2  }
0x12d: {  	v7 =	vld [tilespmem:s31+$0x100];
	[tilespmem:s31+$0x90] =	vst v5;
	v3 =	vmul.f32 v9, v60  }
0x12e: {  	v8 =	vmul.f32 v62, v60;
	v2 =	vld.idx.msk [tilespmem:v11+s21+$0x0], $0xffff;
	[tilespmem:s31+$0xB0] =	vst v4  }
0x12f: {  	v5 =	vld [tilespmem:s31+$0x120];
	[tilespmem:s31+$0xA0] =	vst v3;
	v3 =	vmul.f32 v61, v60  }
0x130: {  	v4 =	vld [tilespmem:s31+$0x130];
	[tilespmem:s31+$0xD0] =	vst v8;
	v9 =	vmul.f32 v63, v60  }
0x131: {  	s5 =	simm.s32 $0x0;
	s0 =	simm.s32 $0x7E00;
	v8 =	vmul.f32 v10, v60;
	[tilespmem:s31+$0xC0] =	vst v3;
	v3 =	vld [tilespmem:s31+$0x140]  }
.LBB2_8:
0x132: {  	s10 =	sadd.s32 s5, s28;
	s5 =	sadd.s32 $0x8, s5;
	[tilespmem:s31+$0xE0] =	vst v9;
	v7 =	vmul.f32 v7, v1;
	v9 =	vld [tilespmem:s31+$0x150]  }
0x133: {  	s11 =	sadd.s32 $0x88, s10;
	s12 =	sadd.s32 $0x8E, s10;
	p2 =	slt.u32 s5, $0x78;
	[tilespmem:s31+$0xF0] =	vst v8;
	v6 =	vmul.f32 v6, v1;
	v8 =	vld [tilespmem:s31+$0x160]  }
0x134: {  	s13 =	sadd.s32 $0x8A, s10;
	s15 =	sadd.s32 $0x8B, s10;
	v10 =	vmov s11;
	s11 =	sadd.s32 $0x89, s10;
	v11 =	vmov s12;
	[tilespmem:s31+$0x100] =	vst v7;
	v5 =	vmul.f32 v5, v1;
	v7 =	vld [tilespmem:s31+$0x180]  }
0x135: {  	v13 =	vmov s13;
	s12 =	sadd.s32 $0x8D, s10;
	v12 =	vmov s11;
	s11 =	sadd.s32 $0x8C, s10;
	v11 =	vand.u32 $0xFFFFFFFE, v11;
	s10 =	sadd.s32 $0x8F, s10;
	[tilespmem:s31+$0x110] =	vst v6;
	v6 =	vld [tilespmem:s31+$0x190]  }
0x136: {  	v14 =	vmov s15;
	v15 =	vmov s11;
	v11 =	vbroadcast v11, $0x0;
	[tilespmem:s31+$0x120] =	vst v5;
	v5 =	vld [tilespmem:s31+$0x1A0]  }
0x137: {  	v10 =	vand.u32 $0xFFFFFFF8, v10;
	v16 =	vmov s12;
	v12 =	vand.u32 $0xFFFFFFF9, v12;
	v17 =	vld [tilespmem:s31+$0x1B0]  }
0x138: {  	v13 =	vand.u32 $0xFFFFFFFA, v13;
	v14 =	vand.u32 $0xFFFFFFFB, v14;
	v15 =	vand.u32 $0xFFFFFFFC, v15;
	v18 =	vld [tilespmem:s31+$0x1C0]  }
0x139: {  	v10 =	vbroadcast v10, $0x0;
	v16 =	vand.u32 $0xFFFFFFFD, v16;
	v12 =	vbroadcast v12, $0x0;
	v19 =	vld [tilespmem:s31+$0x1D0]  }
0x13a: {  	v13 =	vbroadcast v13, $0x0;
	v14 =	vbroadcast v14, $0x0;
	v20 =	vmov s10;
	v21 =	vld [tilespmem:s31+$0x1E0]  }
0x13b: {  	v16 =	vbroadcast v16, $0x0;
	v15 =	vbroadcast v15, $0x0;
	v22 =	vld [tilespmem:s31+$0x1F0]  }
0x13c: {  	v4 =	vmul.f32 v4, v1;
	v3 =	vmul.f32 v3, v1;
	s31 =	sadd.s32 $0x400, s31;
	v11 =	vld.idx.msk [tilespmem:v11+s21+$0x0], $0xffff  }
0x13d: {  	v9 =	vmul.f32 v9, v1;
	v1 =	vmul.f32 v8, v1;
	v23 =	vld [tilespmem:s31+$0x170]  }
0x13e: {  	v6 =	vmul.f32 v6, v2;
	v8 =	vld [tilespmem:s31+$0xFFFFFE00];
	[tilespmem:s0+$0x130] =	vst v4;
	v4 =	vmul.f32 v7, v2  }
0x13f: {  	v17 =	vmul.f32 v17, v2;
	v7 =	vld.idx.msk [tilespmem:v10+s21+$0x0], $0xffff;
	[tilespmem:s0+$0x140] =	vst v3;
	v10 =	vmul.f32 v5, v2  }
0x140: {  	v12 =	vld.idx.msk [tilespmem:v12+s21+$0x0], $0xffff;
	[tilespmem:s0+$0x150] =	vst v9;
	v9 =	vmul.f32 v18, v2;
	v18 =	vmul.f32 v19, v2  }
0x141: {  	v19 =	vmul.f32 v21, v2;
	v21 =	vmul.f32 v22, v2;
	v13 =	vld.idx.msk [tilespmem:v13+s21+$0x0], $0xffff;
	[tilespmem:s0+$0x160] =	vst v1  }
0x142: {  	v1 =	vmov v11;
	v5 =	vld.idx.msk [tilespmem:v14+s21+$0x0], $0xffff;
	v2 =	vmul.f32 v23, v11;
	[tilespmem:s0+$0x180] =	vst v4  }
0x143: {  	v4 =	vld.idx.msk [tilespmem:v15+s21+$0x0], $0xffff;
	[tilespmem:s0+$0x190] =	vst v6  }
0x144: {  	v3 =	vld.idx.msk [tilespmem:v16+s21+$0x0], $0xffff;
	[tilespmem:s31+$0x170] =	vst v2  }
0x145: {  	v6 =	vmul.f32 v8, v7;
	v2 =	vld.idx.msk [tilespmem:v20+s21+$0x0], $0xffff;
	[tilespmem:s0+$0x1A0] =	vst v10  }
0x146: {  	v8 =	vld [tilespmem:s31+$0xFFFFFE10];
	[tilespmem:s0+$0x1B0] =	vst v17  }
0x147: {  	[tilespmem:s31+$0xFFFFFE00] =	vst v6;
	v6 =	vld [tilespmem:s31+$0xFFFFFE20]  }
0x148: {  	v10 =	vld [tilespmem:s31+$0xFFFFFE30];
	[tilespmem:s0+$0x1C0] =	vst v9  }
0x149: {  	v9 =	vld [tilespmem:s31+$0xFFFFFE40];
	[tilespmem:s0+$0x1D0] =	vst v18  }
0x14a: {  	v11 =	vld [tilespmem:s31+$0xFFFFFE50];
	[tilespmem:s0+$0x1E0] =	vst v19  }
0x14b: {  	v8 =	vmul.f32 v8, v7;
	v14 =	vld [tilespmem:s31+$0xFFFFFE60];
	[tilespmem:s0+$0x1F0] =	vst v21;
	s0 =	smov.u32 s31  }
0x14c: {  	v6 =	vmul.f32 v6, v7;
	v15 =	vld [tilespmem:s31+$0xFFFFFE70]  }
0x14d: {  	[tilespmem:s31+$0xFFFFFE10] =	vst v8;
	v8 =	vmul.f32 v10, v7;
	v10 =	vld [tilespmem:s31+$0xFFFFFE80]  }
0x14e: {  	[tilespmem:s31+$0xFFFFFE20] =	vst v6;
	v6 =	vmul.f32 v9, v7;
	v9 =	vld [tilespmem:s31+$0xFFFFFE90]  }
0x14f: {  	[tilespmem:s31+$0xFFFFFE30] =	vst v8;
	v8 =	vmul.f32 v11, v7;
	v11 =	vld [tilespmem:s31+$0xFFFFFEA0]  }
0x150: {  	[tilespmem:s31+$0xFFFFFE40] =	vst v6;
	v6 =	vmul.f32 v14, v7;
	v14 =	vld [tilespmem:s31+$0xFFFFFEB0]  }
0x151: {  	[tilespmem:s31+$0xFFFFFE50] =	vst v8;
	v7 =	vmul.f32 v15, v7;
	v8 =	vld [tilespmem:s31+$0xFFFFFEC0]  }
0x152: {  	[tilespmem:s31+$0xFFFFFE60] =	vst v6;
	v6 =	vmul.f32 v10, v12;
	v10 =	vld [tilespmem:s31+$0xFFFFFED0]  }
0x153: {  	[tilespmem:s31+$0xFFFFFE70] =	vst v7;
	v7 =	vmul.f32 v9, v12;
	v9 =	vld [tilespmem:s31+$0xFFFFFEE0]  }
0x154: {  	[tilespmem:s31+$0xFFFFFE80] =	vst v6;
	v6 =	vmul.f32 v11, v12;
	v11 =	vld [tilespmem:s31+$0xFFFFFEF0]  }
0x155: {  	[tilespmem:s31+$0xFFFFFE90] =	vst v7;
	v7 =	vmul.f32 v14, v12;
	v14 =	vld [tilespmem:s31+$0xFFFFFF00]  }
0x156: {  	[tilespmem:s31+$0xFFFFFEA0] =	vst v6;
	v6 =	vmul.f32 v8, v12;
	v8 =	vld [tilespmem:s31+$0xFFFFFF10]  }
0x157: {  	[tilespmem:s31+$0xFFFFFEB0] =	vst v7;
	v7 =	vmul.f32 v10, v12;
	v10 =	vld [tilespmem:s31+$0xFFFFFF20]  }
0x158: {  	[tilespmem:s31+$0xFFFFFEC0] =	vst v6;
	v6 =	vmul.f32 v9, v12;
	v9 =	vld [tilespmem:s31+$0xFFFFFF30]  }
0x159: {  	[tilespmem:s31+$0xFFFFFED0] =	vst v7;
	v7 =	vmul.f32 v11, v12;
	v11 =	vld [tilespmem:s31+$0xFFFFFF40]  }
0x15a: {  	[tilespmem:s31+$0xFFFFFEE0] =	vst v6;
	v6 =	vmul.f32 v14, v13;
	v12 =	vld [tilespmem:s31+$0xFFFFFF50]  }
0x15b: {  	[tilespmem:s31+$0xFFFFFEF0] =	vst v7;
	v7 =	vmul.f32 v8, v13;
	v8 =	vld [tilespmem:s31+$0xFFFFFF60]  }
0x15c: {  	[tilespmem:s31+$0xFFFFFF00] =	vst v6;
	v6 =	vmul.f32 v10, v13;
	v10 =	vld [tilespmem:s31+$0xFFFFFF70]  }
0x15d: {  	[tilespmem:s31+$0xFFFFFF10] =	vst v7;
	v7 =	vmul.f32 v9, v13;
	v9 =	vld [tilespmem:s31+$0xFFFFFF80]  }
0x15e: {  	[tilespmem:s31+$0xFFFFFF20] =	vst v6;
	v6 =	vmul.f32 v11, v13;
	v11 =	vld [tilespmem:s31+$0xFFFFFF90]  }
0x15f: {  	[tilespmem:s31+$0xFFFFFF30] =	vst v7;
	v7 =	vmul.f32 v12, v13;
	v12 =	vld [tilespmem:s31+$0xFFFFFFA0]  }
0x160: {  	[tilespmem:s31+$0xFFFFFF40] =	vst v6;
	v6 =	vmul.f32 v8, v13;
	v8 =	vld [tilespmem:s31+$0xFFFFFFB0]  }
0x161: {  	[tilespmem:s31+$0xFFFFFF50] =	vst v7;
	v7 =	vmul.f32 v10, v13;
	v10 =	vld [tilespmem:s31+$0xFFFFFFC0]  }
0x162: {  	[tilespmem:s31+$0xFFFFFF60] =	vst v6;
	v6 =	vmul.f32 v9, v5;
	v9 =	vld [tilespmem:s31+$0xFFFFFFD0]  }
0x163: {  	[tilespmem:s31+$0xFFFFFF70] =	vst v7;
	v7 =	vmul.f32 v11, v5;
	v11 =	vld [tilespmem:s31+$0xFFFFFFE0]  }
0x164: {  	[tilespmem:s31+$0xFFFFFF80] =	vst v6;
	v6 =	vmul.f32 v12, v5;
	v12 =	vld [tilespmem:s31+$0xFFFFFFF0]  }
0x165: {  	[tilespmem:s31+$0xFFFFFF90] =	vst v7;
	v7 =	vmul.f32 v8, v5;
	v8 =	vld [tilespmem:s31+$0x0]  }
0x166: {  	[tilespmem:s31+$0xFFFFFFA0] =	vst v6;
	v6 =	vmul.f32 v10, v5;
	v10 =	vld [tilespmem:s31+$0x10]  }
0x167: {  	[tilespmem:s31+$0xFFFFFFB0] =	vst v7;
	v7 =	vmul.f32 v9, v5;
	v9 =	vld [tilespmem:s31+$0x20]  }
0x168: {  	[tilespmem:s31+$0xFFFFFFC0] =	vst v6;
	v6 =	vmul.f32 v11, v5;
	v11 =	vld [tilespmem:s31+$0x30]  }
0x169: {  	[tilespmem:s31+$0xFFFFFFD0] =	vst v7;
	v5 =	vmul.f32 v12, v5;
	v7 =	vld [tilespmem:s31+$0x40]  }
0x16a: {  	[tilespmem:s31+$0xFFFFFFE0] =	vst v6;
	v6 =	vmul.f32 v8, v4;
	v8 =	vld [tilespmem:s31+$0x50]  }
0x16b: {  	[tilespmem:s31+$0xFFFFFFF0] =	vst v5;
	v5 =	vmul.f32 v10, v4;
	v10 =	vld [tilespmem:s31+$0x60]  }
0x16c: {  	[tilespmem:s31+$0x0] =	vst v6;
	v6 =	vmul.f32 v9, v4;
	v9 =	vld [tilespmem:s31+$0x70]  }
0x16d: {  	[tilespmem:s31+$0x10] =	vst v5;
	v5 =	vmul.f32 v11, v4;
	v11 =	vld [tilespmem:s31+$0x80]  }
0x16e: {  	[tilespmem:s31+$0x20] =	vst v6;
	v6 =	vmul.f32 v7, v4;
	v7 =	vld [tilespmem:s31+$0x90]  }
0x16f: {  	[tilespmem:s31+$0x30] =	vst v5;
	v5 =	vmul.f32 v8, v4;
	v8 =	vld [tilespmem:s31+$0xA0]  }
0x170: {  	[tilespmem:s31+$0x40] =	vst v6;
	v6 =	vmul.f32 v10, v4;
	v10 =	vld [tilespmem:s31+$0xB0]  }
0x171: {  	[tilespmem:s31+$0x50] =	vst v5;
	v4 =	vmul.f32 v9, v4;
	v5 =	vld [tilespmem:s31+$0xC0]  }
0x172: {  	[tilespmem:s31+$0x60] =	vst v6;
	v6 =	vmul.f32 v11, v3;
	v9 =	vld [tilespmem:s31+$0xD0]  }
0x173: {  	[tilespmem:s31+$0x70] =	vst v4;
	v4 =	vmul.f32 v7, v3;
	v11 =	vld [tilespmem:s31+$0xE0]  }
0x174: {  	[tilespmem:s31+$0x80] =	vst v6;
	v6 =	vmul.f32 v8, v3;
	v8 =	vld [tilespmem:s31+$0xF0]  }
.Ltmp2:
0x175: {  	[tilespmem:s31+$0x90] =	vst v4;
	v4 =	vmul.f32 v10, v3;
	v7 =	vld [tilespmem:s31+$0x100];
	(pc) =	sbr.rel @p2 .LBB2_8-.Ltmp2, $4  }
0x176: {  	[tilespmem:s31+$0xA0] =	vst v6;
	v10 =	vmul.f32 v5, v3;
	v6 =	vld [tilespmem:s31+$0x110]  }
0x177: {  	[tilespmem:s31+$0xB0] =	vst v4;
	v12 =	vmul.f32 v9, v3;
	v5 =	vld [tilespmem:s31+$0x120]  }
0x178: {  	[tilespmem:s31+$0xC0] =	vst v10;
	v9 =	vmul.f32 v11, v3;
	v4 =	vld [tilespmem:s31+$0x130]  }
0x179: {  	[tilespmem:s31+$0xD0] =	vst v12;
	v8 =	vmul.f32 v8, v3;
	v3 =	vld [tilespmem:s31+$0x140]  }
0x17a: {  	v10 =	vld [tilespmem:s31+$0x150];
	[tilespmem:s31+$0xE0] =	vst v9;
	v7 =	vmul.f32 v7, v1  }
0x17b: {  	v56 =	vld [tilespmem:s31+$0x160];
	[tilespmem:s31+$0xF0] =	vst v8;
	v6 =	vmul.f32 v6, v1  }
0x17c: {  	v57 =	vld [tilespmem:s31+$0x180];
	[tilespmem:s31+$0x100] =	vst v7;
	v5 =	vmul.f32 v5, v1  }
0x17d: {  	v58 =	vld [tilespmem:s31+$0x190];
	[tilespmem:s31+$0x110] =	vst v6;
	v4 =	vmul.f32 v4, v1  }
0x17e: {  	v60 =	vld [tilespmem:s31+$0x1B0];
	[tilespmem:s31+$0x120] =	vst v5;
	v3 =	vmul.f32 v3, v1  }
0x17f: {  	v59 =	vld [tilespmem:s31+$0x1A0];
	v10 =	vmul.f32 v10, v1;
	[tilespmem:s0+$0x130] =	vst v4  }
0x180: {  	v11 =	vld [tilespmem:s31+$0x1C0];
	v1 =	vmul.f32 v56, v1;
	[tilespmem:s0+$0x140] =	vst v3  }
0x181: {  	v61 =	vld [tilespmem:s31+$0x1D0];
	v8 =	vmul.f32 v57, v2;
	[tilespmem:s0+$0x150] =	vst v10  }
0x182: {  	v7 =	vmul.f32 v58, v2;
	v3 =	vld [tilespmem:s31+$0x1E0];
	[tilespmem:s0+$0x160] =	vst v1  }
0x183: {  	v62 =	vld [tilespmem:s31+$0x1F0];
	v5 =	vmul.f32 v60, v2;
	[tilespmem:s0+$0x180] =	vst v8  }
0x184: {  	v1 =	vmul.f32 v59, v2;
	[tilespmem:s0+$0x190] =	vst v7  }
0x185: {  	v63 =	vmul.f32 v11, v2;
	[tilespmem:s0+$0x1B0] =	vst v5  }
0x186: {  	[tilespmem:s0+$0x1A0] =	vst v1;
	v1 =	vmul.f32 v61, v2  }
0x187: {  	[tilespmem:s0+$0x1C0] =	vst v63;
	v3 =	vmul.f32 v3, v2  }
0x188: {  	s29 =	sadd.s32 $0x1, s29;
	v2 =	vmul.f32 v62, v2;
	[tilespmem:s0+$0x1D0] =	vst v1  }
0x189: {  	p2 =	sne.s32 s29, $0x14;
	[tilespmem:s0+$0x1E0] =	vst v3  }
.Ltmp3:
0x18a: {  	s31 =	sadd.s32 $0x1400, s30;
	[tilespmem:s0+$0x1F0] =	vst v2;
	(pc) =	sbr.rel @p2 .LBB2_5-.Ltmp3, $4  }
0x18b: {  	[spmem:s3] =	stream.indirect.scatter.add.f32 [tilespmem:s23], [sflag:$0x3], $0x80, s31, s22, $0xb8;
	[tilespmem:$0x1F480] =	vst v63  }
0x18c: {  	_ =	swait.ge [sflag:s19], $0x4000  }
0x18d: {  	[sflag:s19] =	ssyncset.done $0x0  }
0x18e: {  	s28 =	sadd.s32 $0x100, s28;
	[sflag:s19] =	ssyncadd.s32 $0xFFFFC000  }
.Ltmp4:
0x18f: {  	(pc) =	sbr.rel @p1 .LBB2_4-.Ltmp4, $2  }
0x190: {  	_ =	sdelay $0x2  }
0x191: {  	s0 =	simm.s32 $0x28;
	p2 =	por $0x0, $0x0  }
0x192: {  	s0 =	stileid.u32  }
0x193: {  	[bflag:$0x0] =	sbarrier.arrive $0xFFFF;
	s0 =	sshll.u32 s0, $0x6  }
0x194: {  	s5 =	sshrl.u32 s9, $0x3;
	s10 =	rddreg [dreg:$0x9];
	s0 =	sor.u32 $0x1C03, s0  }
0x195: {  	[hbm:s10], [sflag:s0] =	dma.local [spmem:s5], $0x2700  }
0x196: {  	_ =	swait.ge [sflag:s19], $0x2700  }
0x197: {  	s4 =	sadd.s32 $0x1, s4;
	[sflag:s19] =	ssyncset.done $0x0  }
0x198: {  	p1 =	sne.s32 s4, s17;
	s5 =	sshrl.u32 @!p0 s14, $0x3;
	[sflag:s19] =	ssyncadd.s32 $0xFFFFD900  }
0x199: {  	[hbm:s16], [sflag:s0] =	dma.local @!p0 [spmem:s5], $0x100  }
.Ltmp5:
0x19a: {  	_ = 	snop;
	(pc) =	sbr.rel @p1 .LBB2_1-.Ltmp5, $4  }
0x19b: {  	s0 =	simm.s32 @!p0 $0x3  }
0x19c: {  	_ =	swait.ge @!p0 [sflag:s0], $0x100  }
0x19d: {  	[sflag:s0] =	ssyncset.done @!p0 $0x0  }
0x19e: {  	[sflag:s0] =	ssyncadd.s32 @!p0 $0xFFFFFF00  }
0x19f: {  	_ =	sfence.sel $0x180000  }
0x1a0: {  	[bflag:$0x0] =	sbarrier.arrive $0xFFFF  }
0x1a1: {  	_ =	strace $0x90000047  }
0x1a2: {  	s0 =	stileid.u32;
	[bflag:$0x2] =	sbarrier.arrive $0xFFFF  }
0x1a3: {  	p0 =	sne.s32 s0, $0x0;
	s0 =	rddreg [dreg:$0x4]  }
0x1a4: {  	s0 =	sadd.s32 @!p0 $0x100000, s0  }
0x1a5: {  	[sflag:s0] =	ssyncadd.tile.s32 @!p0 $0x1;
	_ =	shalt  }
.Lfunc_end2:
_tile_overlayer_lowered:
.L_overlay_start_2:
0x1a6: {  	(tag) =	ssettag $0x2  }
0x1a7: {  	s0 =	rddreg [dreg:$0x0];
	s2 =	stileid.u32  }
0x1a8: {  	s1 =	rddreg [dreg:$0x1];
	p0 =	sne.s32 s2, $0x0  }
0x1a9: {  	s3 =	rddreg [dreg:$0x2];
	[bflag:$0x3] =	sbarrier.arrive $0xFFFF;
	s2 =	simm.s32 @!p0 $0x1C03  }
0x1aa: {  	[timem:s3], [sflag:s2] =	dma.local @!p0 [hbm:s0], s1  }
0x1ab: {  	s0 =	simm.s32 @!p0 $0x3  }
0x1ac: {  	_ =	swait.ge @!p0 [sflag:s0], s1  }
0x1ad: {  	s1 =	ssub.s32 @!p0 $0x0, s1;
	[sflag:s0] =	ssyncset.done @!p0 $0x0  }
0x1ae: {  	[sflag:s0] =	ssyncadd.s32 @!p0 s1  }
0x1af: {  	[bflag:$0x3] =	sbarrier.arrive $0xFFFF  }
0x1b0: {  	_ =	shalt  }

</sc_bundles>
